<compile_context>
chip_gen: v7x
topology: tpu7x:2x2x1
jax: 0.10.2.dev20260603
libtpu: 0.0.44.dev20260713+nightly
codegen_flags: <defaults>
</compile_context>

<pallas_src>
import functools

import jax
import jax.numpy as jnp
from jax import lax
from jax.experimental import pallas as pl
from jax.experimental.pallas import tpu as pltpu
from jax.experimental.pallas import tpu_sc as plsc

_N = 10000
_E = 320000
_F = 128
_NC = 2
_NS = 16
_NW = _NC * _NS
_EPW = _E // _NW
_C = 80
_NCHUNK = _EPW // _C
_RPT = 624
_TAIL0 = _NS * _RPT
_TAIL = _N - _TAIL0


_NPAIR = (_NCHUNK - 1) // 2


def _segsum_body(h_hbm, src_hbm, dst_hbm, zeros_hbm, out_hbm,
                 src_v, dst_v, rows_v, acc_sh, gsems, ssems, isem):
    c = lax.axis_index("c")
    s = lax.axis_index("s")
    wid = s * _NC + c
    r0 = s * _RPT
    pltpu.sync_copy(zeros_hbm.at[pl.ds(r0, _RPT)], acc_sh.at[pl.ds(r0, _RPT)])

    @pl.when(s == _NS - 1)
    def _zero_tail():
        pltpu.sync_copy(zeros_hbm.at[pl.ds(_TAIL0, _TAIL)],
                        acc_sh.at[pl.ds(_TAIL0, _TAIL)])

    plsc.subcore_barrier()

    def _idx_fetch(g, p, j):
        pltpu.async_copy(src_hbm.at[wid, g], src_v.at[p, j], isem)
        pltpu.async_copy(dst_hbm.at[wid, g], dst_v.at[p, j], isem)

    def _idx_wait(g, p, j):
        pltpu.make_async_copy(src_hbm.at[wid, g], src_v.at[p, j],
                              isem).wait()
        pltpu.make_async_copy(dst_hbm.at[wid, g], dst_v.at[p, j],
                              isem).wait()

    def _gather(p, j, b):
        return pltpu.async_copy(h_hbm.at[src_v.at[p, j]], rows_v.at[b],
                                gsems[b])

    def _gather_wait(p, j, b):
        pltpu.make_async_copy(h_hbm.at[src_v.at[p, j]], rows_v.at[b],
                              gsems[b]).wait()

    def _scatter(p, j, b):
        return pltpu.async_copy(rows_v.at[b], acc_sh.at[dst_v.at[p, j]],
                                ssems[b], add=True)

    def _scatter_wait(p, j, b):
        pltpu.make_async_copy(rows_v.at[b], acc_sh.at[dst_v.at[p, j]],
                              ssems[b]).wait()

    _idx_fetch(0, 0, 0)
    _idx_fetch(1, 0, 1)
    _idx_wait(0, 0, 0)
    _idx_wait(1, 0, 1)
    _gather(0, 0, 0)

    def pair(w, carry):
        g = 2 * w
        p = lax.rem(w, 2)
        q = 1 - p
        _idx_fetch(g + 2, q, 0)

        @pl.when(w < _NPAIR - 1)
        def _fetch2():
            _idx_fetch(g + 3, q, 1)

        @pl.when(w > 0)
        def _reclaim():
            _scatter_wait(p, 1, 1)

        _gather(p, 1, 1)
        _gather_wait(p, 0, 0)
        _scatter(p, 0, 0)
        _gather_wait(p, 1, 1)
        _scatter(p, 1, 1)
        _scatter_wait(p, 0, 0)
        _idx_wait(g + 2, q, 0)

        @pl.when(w < _NPAIR - 1)
        def _wait2():
            _idx_wait(g + 3, q, 1)

        _gather(q, 0, 0)
        return carry

    lax.fori_loop(0, _NPAIR, pair, 0)
    pfin = _NPAIR % 2
    _gather_wait(pfin, 0, 0)
    _scatter(pfin, 0, 0)
    _scatter_wait(1 - pfin, 1, 1)
    _scatter_wait(pfin, 0, 0)
    plsc.subcore_barrier()
    pltpu.sync_copy(acc_sh.at[pl.ds(r0, _RPT)], out_hbm.at[c, pl.ds(r0, _RPT)])

    @pl.when(s == _NS - 1)
    def _dump_tail():
        pltpu.sync_copy(acc_sh.at[pl.ds(_TAIL0, _TAIL)],
                        out_hbm.at[c, pl.ds(_TAIL0, _TAIL)])


_segsum = pl.kernel(
    _segsum_body,
    out_type=jax.ShapeDtypeStruct((_NC, _N, _F), jnp.float32),
    mesh=plsc.VectorSubcoreMesh(core_axis_name="c", subcore_axis_name="s"),
    scratch_types=[
        pltpu.VMEM((2, 2, _C), jnp.int32),
        pltpu.VMEM((2, 2, _C), jnp.int32),
        pltpu.VMEM((2, _C, _F), jnp.float32),
        pltpu.VMEM_SHARED((_N, _F), jnp.float32),
        [pltpu.SemaphoreType.DMA] * 2,
        [pltpu.SemaphoreType.DMA] * 2,
        pltpu.SemaphoreType.DMA,
    ],
)


def _dense_body(h_ref, a_ref, w1t_ref, b1_ref, w2t_ref, b2_ref,
                g_ref, be_ref, out_ref, *, last):
    z = h_ref[...] + a_ref[0] + a_ref[1]
    dn = (((1,), (1,)), ((), ()))
    u = jnp.maximum(
        lax.dot_general(z, w1t_ref[...], dn,
                        preferred_element_type=jnp.float32)
        + b1_ref[...], 0.0)
    t = (lax.dot_general(u, w2t_ref[...], dn,
                         preferred_element_type=jnp.float32)
         + b2_ref[...])
    mean = jnp.mean(t, axis=0, keepdims=True)
    d = t - mean
    var = jnp.mean(d * d, axis=0, keepdims=True)
    y = d * lax.rsqrt(var + 1e-5) * g_ref[...] + be_ref[...]
    if not last:
        y = jnp.maximum(y, 0.0)
    out_ref[...] = y


def _dense_layer(h, acc, w1, b1, w2, b2, gamma, beta, last):
    fn = pl.pallas_call(
        functools.partial(_dense_body, last=last),
        out_shape=jax.ShapeDtypeStruct((_N, _F), jnp.float32),
    )
    return fn(h, acc, w1, b1.reshape(1, _F), w2,
              b2.reshape(1, _F), gamma.reshape(1, _F), beta.reshape(1, _F))


def kernel(x, edge_index, edge_attr, W1_0, b1_0, W2_0, b2_0,
           W1_1, b1_1, W2_1, b2_1, gamma_0, beta_0, gamma_1, beta_1):
    src = edge_index[0].reshape(_NW, _NCHUNK, _C)
    dst = edge_index[1].reshape(_NW, _NCHUNK, _C)
    zeros = jnp.zeros((_N, _F), dtype=jnp.float32)
    acc0 = _segsum(x, src, dst, zeros)
    h1 = _dense_layer(x, acc0, W1_0, b1_0, W2_0, b2_0, gamma_0, beta_0,
                      last=False)
    acc1 = _segsum(h1, src, dst, zeros)
    h2 = _dense_layer(h1, acc1, W1_1, b1_1, W2_1, b2_1, gamma_1, beta_1,
                      last=True)
    return h2[:, None, :]

# --- scband reference (transcript-rebuilt; emitter-appended) ---
"""Pipeline reference for scband-gnn-ori-62723702391216 (READ-ONLY COPY).

The authoritative reference and input builder live on the scoring server;
editing this copy changes nothing except your own understanding.
"""

import jax, jax.numpy as jnp
import numpy as np

N = 10000
E = 320000
WIN = 128
EMB = 128


def setup_inputs(seed: int = 0) -> dict:
    key = jax.random.key(seed)
    ks = jax.random.split(key, 20)
    x = jax.random.normal(ks[0], (N, WIN), dtype=jnp.float32)
    edge_index = jax.random.randint(ks[1], (2, E), 0, N, dtype=jnp.int32)
    edge_attr = jax.random.normal(ks[2], (E, 4), dtype=jnp.float32)
    s = 0.02
    params = {
        'W1_0': jax.random.normal(ks[3], (EMB, WIN), dtype=jnp.float32) * s,
        'b1_0': jnp.zeros((EMB,), dtype=jnp.float32),
        'W2_0': jax.random.normal(ks[4], (EMB, EMB), dtype=jnp.float32) * s,
        'b2_0': jnp.zeros((EMB,), dtype=jnp.float32),
        'W1_1': jax.random.normal(ks[5], (EMB, EMB), dtype=jnp.float32) * s,
        'b1_1': jnp.zeros((EMB,), dtype=jnp.float32),
        'W2_1': jax.random.normal(ks[6], (EMB, EMB), dtype=jnp.float32) * s,
        'b2_1': jnp.zeros((EMB,), dtype=jnp.float32),
        'gamma_0': jnp.ones((EMB,), dtype=jnp.float32),
        'beta_0': jnp.zeros((EMB,), dtype=jnp.float32),
        'gamma_1': jnp.ones((EMB,), dtype=jnp.float32),
        'beta_1': jnp.zeros((EMB,), dtype=jnp.float32),
    }
    inp = {'x': x, 'edge_index': edge_index, 'edge_attr': edge_attr}
    inp.update(params)
    return inp


def _gin_layer(h, src, dst, W1, b1, W2, b2, gamma, beta, last):
    # GINConv (eps=0): out_i = nn((1+eps)*x_i + sum_{j->i} x_j)
    aggr = jax.ops.segment_sum(h[src], dst, num_segments=N)
    z = h + aggr
    # NewNN_ori: view [N, num_tok=1, WIN] -> Linear -> ReLU -> Linear -> view [N, EMB]
    t = jnp.maximum(z @ W1.T + b1, 0.0) @ W2.T + b2  # [N, EMB]
    # h.view(N, EMB, 1) then BatchNorm1d(EMB) in training mode: batch stats over N (and L=1)
    mean = jnp.mean(t, axis=0)
    var = jnp.var(t, axis=0)
    t = (t - mean) / jnp.sqrt(var + 1e-5) * gamma + beta
    # permute(0,2,1) -> [N, 1, EMB]
    if last:
        return t[:, None, :]  # dropout with p=0 is identity
    # reshape + relu (dropout p=0 identity)
    return jnp.maximum(t, 0.0)


def reference(x, edge_index, edge_attr, W1_0, b1_0, W2_0, b2_0, W1_1, b1_1, W2_1, b2_1, gamma_0, beta_0, gamma_1, beta_1):
    src = edge_index[0]
    dst = edge_index[1]
    h0 = x.reshape(N, -1)
    h1 = _gin_layer(h0, src, dst, W1_0, b1_0, W2_0, b2_0, gamma_0, beta_0, last=False)
    h2 = _gin_layer(h1, src, dst, W1_1, b1_1, W2_1, b2_1, gamma_1, beta_1, last=True)
    # JK == 'last'
    return h2  # [N, 1, EMB]


if False:  # reference __main__ guard neutralized (emitter)
    out = reference(**setup_inputs())
    print(out.shape)

if __name__ == "__main__":
    import jax
    _d = setup_inputs()
    print(jax.jit(kernel)(*tuple(_d.values())))

</pallas_src>

<mosaic_0001>
#map = affine_map<(d0, d1) -> (0, 0)>
#map1 = affine_map<(d0, d1) -> (0, 0, 0)>
module attributes {stable_mosaic.version = 14 : i64} {
  func.func @_segsum_body(%arg0: i32, %arg1: i32, %arg2: memref<10000x128xf32, #tpu.memory_space<hbm>>, %arg3: memref<32x125x80xi32, #tpu.memory_space<hbm>>, %arg4: memref<32x125x80xi32, #tpu.memory_space<hbm>>, %arg5: memref<10000x128xf32, #tpu.memory_space<hbm>>, %arg6: memref<2x10000x128xf32, #tpu.memory_space<hbm>>, %arg7: memref<2x2x80xi32, #tpu.memory_space<vmem>>, %arg8: memref<2x2x80xi32, #tpu.memory_space<vmem>>, %arg9: memref<2x80x128xf32, #tpu.memory_space<vmem>>, %arg10: memref<10000x128xf32, #tpu.memory_space<vmem_shared>>, %arg11: memref<!tpu.dma_semaphore, #tpu.memory_space<semaphore_mem>>, %arg12: memref<!tpu.dma_semaphore, #tpu.memory_space<semaphore_mem>>, %arg13: memref<!tpu.dma_semaphore, #tpu.memory_space<semaphore_mem>>, %arg14: memref<!tpu.dma_semaphore, #tpu.memory_space<semaphore_mem>>, %arg15: memref<!tpu.dma_semaphore, #tpu.memory_space<semaphore_mem>>) attributes {dimension_semantics = [#tpu.dimension_semantics<core_parallel>, #tpu.dimension_semantics<subcore_parallel>], iteration_bounds = array<i64: 2, 16>, scalar_prefetch = 0 : i64, scratch_operands = 9 : i64, tpu.core_type = #tpu.core_type<sc_vector_subcore>, window_params = [{transform_indices = #map}, {transform_indices = #map1}, {transform_indices = #map1}, {transform_indices = #map}, {transform_indices = #map1}]} {
    %mul3A = arith.constant 2 : i32
    %mul3A_0 = arith.muli %arg1, %mul3A : i32
    %add3A = arith.addi %mul3A_0, %arg0 : i32
    %mul3A_1 = arith.constant 624 : i32
    %mul3A_2 = arith.muli %arg1, %mul3A_1 : i32
    "tpu.region"() ({
      %run_scoped3A = tpu.sem_alloc : memref<!tpu.dma_semaphore, #tpu.memory_space<semaphore_mem>>
      %dma_start3A_199 = arith.constant 0 : i32
      %dma_start3A_200 = tpu.memref_slice %arg10[%mul3A_2, %dma_start3A_199] : memref<10000x128xf32, #tpu.memory_space<vmem_shared>> -> memref<624x128xf32, #tpu.memory_space<vmem_shared>>
      %dma_start3A_201 = arith.constant 0 : i32
      %dma_start3A_202 = tpu.memref_slice %arg5[%mul3A_2, %dma_start3A_201] : memref<10000x128xf32, #tpu.memory_space<hbm>> -> memref<624x128xf32, #tpu.memory_space<hbm>>
      tpu.enqueue_dma source(%dma_start3A_202 : memref<624x128xf32, #tpu.memory_space<hbm>>) target(%dma_start3A_200 : memref<624x128xf32, #tpu.memory_space<vmem_shared>>) target_semaphore(%run_scoped3A : memref<!tpu.dma_semaphore, #tpu.memory_space<semaphore_mem>>)
      %dma_wait3A_203 = arith.constant 0 : i32
      %dma_wait3A_204 = tpu.memref_slice %arg10[%mul3A_2, %dma_wait3A_203] : memref<10000x128xf32, #tpu.memory_space<vmem_shared>> -> memref<624x128xf32, #tpu.memory_space<vmem_shared>>
      %dma_wait3A_205 = arith.constant 0 : i32
      %dma_wait3A_206 = tpu.memref_slice %arg5[%mul3A_2, %dma_wait3A_205] : memref<10000x128xf32, #tpu.memory_space<hbm>> -> memref<624x128xf32, #tpu.memory_space<hbm>>
      tpu.wait_dma2 semaphore(%run_scoped3A : memref<!tpu.dma_semaphore, #tpu.memory_space<semaphore_mem>>) src(%dma_wait3A_206 : memref<624x128xf32, #tpu.memory_space<hbm>>) dst(%dma_wait3A_204 : memref<624x128xf32, #tpu.memory_space<vmem_shared>>)
      tpu.yield
    }) : () -> ()
    %eq3A = arith.constant 15 : i32
    %eq3A_3 = arith.cmpi eq, %arg1, %eq3A : i32
    %convert_element_type3A = arith.extui %eq3A_3 : i1 to i32
    %cond3A = arith.constant 0 : i32
    %cond3A_4 = arith.cmpi ne, %convert_element_type3A, %cond3A : i32
    scf.if %cond3A_4 {
      "tpu.region"() ({
        %run_scoped3A = tpu.sem_alloc : memref<!tpu.dma_semaphore, #tpu.memory_space<semaphore_mem>>
        %dma_start3A_199 = arith.constant 9984 : i32
        %dma_start3A_200 = arith.constant 0 : i32
        %dma_start3A_201 = tpu.memref_slice %arg10[%dma_start3A_199, %dma_start3A_200] : memref<10000x128xf32, #tpu.memory_space<vmem_shared>> -> memref<16x128xf32, #tpu.memory_space<vmem_shared>>
        %dma_start3A_202 = arith.constant 9984 : i32
        %dma_start3A_203 = arith.constant 0 : i32
        %dma_start3A_204 = tpu.memref_slice %arg5[%dma_start3A_202, %dma_start3A_203] : memref<10000x128xf32, #tpu.memory_space<hbm>> -> memref<16x128xf32, #tpu.memory_space<hbm>>
        tpu.enqueue_dma source(%dma_start3A_204 : memref<16x128xf32, #tpu.memory_space<hbm>>) target(%dma_start3A_201 : memref<16x128xf32, #tpu.memory_space<vmem_shared>>) target_semaphore(%run_scoped3A : memref<!tpu.dma_semaphore, #tpu.memory_space<semaphore_mem>>)
        %dma_wait3A_205 = arith.constant 9984 : i32
        %dma_wait3A_206 = arith.constant 0 : i32
        %dma_wait3A_207 = tpu.memref_slice %arg10[%dma_wait3A_205, %dma_wait3A_206] : memref<10000x128xf32, #tpu.memory_space<vmem_shared>> -> memref<16x128xf32, #tpu.memory_space<vmem_shared>>
        %dma_wait3A_208 = arith.constant 9984 : i32
        %dma_wait3A_209 = arith.constant 0 : i32
        %dma_wait3A_210 = tpu.memref_slice %arg5[%dma_wait3A_208, %dma_wait3A_209] : memref<10000x128xf32, #tpu.memory_space<hbm>> -> memref<16x128xf32, #tpu.memory_space<hbm>>
        tpu.wait_dma2 semaphore(%run_scoped3A : memref<!tpu.dma_semaphore, #tpu.memory_space<semaphore_mem>>) src(%dma_wait3A_210 : memref<16x128xf32, #tpu.memory_space<hbm>>) dst(%dma_wait3A_207 : memref<16x128xf32, #tpu.memory_space<vmem_shared>>)
        tpu.yield
      }) : () -> ()
    } else {
    }
    %barrier3A = arith.constant 0 : index
    tpu.barrier barrier_id(%barrier3A)
    %dma_start3A = arith.constant 0 : i32
    %dma_start3A_5 = arith.constant 0 : i32
    %dma_start3A_6 = arith.constant 0 : i32
    %dma_start3A_7 = arith.constant 0 : i32
    %dma_start3A_8 = tpu.memref_slice %arg7[%dma_start3A_5, %dma_start3A_6, %dma_start3A_7] : memref<2x2x80xi32, #tpu.memory_space<vmem>> -> memref<1x1x80xi32, #tpu.memory_space<vmem>>
    %dma_start3A_9 = tpu.memref_squeeze %dma_start3A_8 : memref<1x1x80xi32, #tpu.memory_space<vmem>> -> memref<80xi32, #tpu.memory_space<vmem>>
    %dma_start3A_10 = arith.constant 0 : i32
    %dma_start3A_11 = tpu.memref_slice %arg3[%add3A, %dma_start3A, %dma_start3A_10] : memref<32x125x80xi32, #tpu.memory_space<hbm>> -> memref<1x1x80xi32, #tpu.memory_space<hbm>>
    %dma_start3A_12 = tpu.memref_squeeze %dma_start3A_11 : memref<1x1x80xi32, #tpu.memory_space<hbm>> -> memref<80xi32, #tpu.memory_space<hbm>>
    %dma_start3A_13 = arith.constant 0 : i32
    %dma_start3A_14 = tpu.memref_slice %arg7[%dma_start3A_5, %dma_start3A_6, %dma_start3A_13] : memref<2x2x80xi32, #tpu.memory_space<vmem>> -> memref<1x1x80xi32, #tpu.memory_space<vmem>>
    %dma_start3A_15 = tpu.memref_squeeze %dma_start3A_14 : memref<1x1x80xi32, #tpu.memory_space<vmem>> -> memref<80xi32, #tpu.memory_space<vmem>>
    %dma_start3A_16 = arith.constant 0 : i32
    %dma_start3A_17 = tpu.memref_slice %arg3[%add3A, %dma_start3A, %dma_start3A_16] : memref<32x125x80xi32, #tpu.memory_space<hbm>> -> memref<1x1x80xi32, #tpu.memory_space<hbm>>
    %dma_start3A_18 = tpu.memref_squeeze %dma_start3A_17 : memref<1x1x80xi32, #tpu.memory_space<hbm>> -> memref<80xi32, #tpu.memory_space<hbm>>
    tpu.enqueue_dma source(%dma_start3A_18 : memref<80xi32, #tpu.memory_space<hbm>>) target(%dma_start3A_15 : memref<80xi32, #tpu.memory_space<vmem>>) target_semaphore(%arg15 : memref<!tpu.dma_semaphore, #tpu.memory_space<semaphore_mem>>)
    %dma_start3A_19 = arith.constant 0 : i32
    %dma_start3A_20 = arith.constant 0 : i32
    %dma_start3A_21 = arith.constant 0 : i32
    %dma_start3A_22 = arith.constant 0 : i32
    %dma_start3A_23 = tpu.memref_slice %arg8[%dma_start3A_20, %dma_start3A_21, %dma_start3A_22] : memref<2x2x80xi32, #tpu.memory_space<vmem>> -> memref<1x1x80xi32, #tpu.memory_space<vmem>>
    %dma_start3A_24 = tpu.memref_squeeze %dma_start3A_23 : memref<1x1x80xi32, #tpu.memory_space<vmem>> -> memref<80xi32, #tpu.memory_space<vmem>>
    %dma_start3A_25 = arith.constant 0 : i32
    %dma_start3A_26 = tpu.memref_slice %arg4[%add3A, %dma_start3A_19, %dma_start3A_25] : memref<32x125x80xi32, #tpu.memory_space<hbm>> -> memref<1x1x80xi32, #tpu.memory_space<hbm>>
    %dma_start3A_27 = tpu.memref_squeeze %dma_start3A_26 : memref<1x1x80xi32, #tpu.memory_space<hbm>> -> memref<80xi32, #tpu.memory_space<hbm>>
    %dma_start3A_28 = arith.constant 0 : i32
    %dma_start3A_29 = tpu.memref_slice %arg8[%dma_start3A_20, %dma_start3A_21, %dma_start3A_28] : memref<2x2x80xi32, #tpu.memory_space<vmem>> -> memref<1x1x80xi32, #tpu.memory_space<vmem>>
    %dma_start3A_30 = tpu.memref_squeeze %dma_start3A_29 : memref<1x1x80xi32, #tpu.memory_space<vmem>> -> memref<80xi32, #tpu.memory_space<vmem>>
    %dma_start3A_31 = arith.constant 0 : i32
    %dma_start3A_32 = tpu.memref_slice %arg4[%add3A, %dma_start3A_19, %dma_start3A_31] : memref<32x125x80xi32, #tpu.memory_space<hbm>> -> memref<1x1x80xi32, #tpu.memory_space<hbm>>
    %dma_start3A_33 = tpu.memref_squeeze %dma_start3A_32 : memref<1x1x80xi32, #tpu.memory_space<hbm>> -> memref<80xi32, #tpu.memory_space<hbm>>
    tpu.enqueue_dma source(%dma_start3A_33 : memref<80xi32, #tpu.memory_space<hbm>>) target(%dma_start3A_30 : memref<80xi32, #tpu.memory_space<vmem>>) target_semaphore(%arg15 : memref<!tpu.dma_semaphore, #tpu.memory_space<semaphore_mem>>)
    %dma_start3A_34 = arith.constant 1 : i32
    %dma_start3A_35 = arith.constant 0 : i32
    %dma_start3A_36 = arith.constant 1 : i32
    %dma_start3A_37 = arith.constant 0 : i32
    %dma_start3A_38 = tpu.memref_slice %arg7[%dma_start3A_35, %dma_start3A_36, %dma_start3A_37] : memref<2x2x80xi32, #tpu.memory_space<vmem>> -> memref<1x1x80xi32, #tpu.memory_space<vmem>>
    %dma_start3A_39 = tpu.memref_squeeze %dma_start3A_38 : memref<1x1x80xi32, #tpu.memory_space<vmem>> -> memref<80xi32, #tpu.memory_space<vmem>>
    %dma_start3A_40 = arith.constant 0 : i32
    %dma_start3A_41 = tpu.memref_slice %arg3[%add3A, %dma_start3A_34, %dma_start3A_40] : memref<32x125x80xi32, #tpu.memory_space<hbm>> -> memref<1x1x80xi32, #tpu.memory_space<hbm>>
    %dma_start3A_42 = tpu.memref_squeeze %dma_start3A_41 : memref<1x1x80xi32, #tpu.memory_space<hbm>> -> memref<80xi32, #tpu.memory_space<hbm>>
    %dma_start3A_43 = arith.constant 0 : i32
    %dma_start3A_44 = tpu.memref_slice %arg7[%dma_start3A_35, %dma_start3A_36, %dma_start3A_43] : memref<2x2x80xi32, #tpu.memory_space<vmem>> -> memref<1x1x80xi32, #tpu.memory_space<vmem>>
    %dma_start3A_45 = tpu.memref_squeeze %dma_start3A_44 : memref<1x1x80xi32, #tpu.memory_space<vmem>> -> memref<80xi32, #tpu.memory_space<vmem>>
    %dma_start3A_46 = arith.constant 0 : i32
    %dma_start3A_47 = tpu.memref_slice %arg3[%add3A, %dma_start3A_34, %dma_start3A_46] : memref<32x125x80xi32, #tpu.memory_space<hbm>> -> memref<1x1x80xi32, #tpu.memory_space<hbm>>
    %dma_start3A_48 = tpu.memref_squeeze %dma_start3A_47 : memref<1x1x80xi32, #tpu.memory_space<hbm>> -> memref<80xi32, #tpu.memory_space<hbm>>
    tpu.enqueue_dma source(%dma_start3A_48 : memref<80xi32, #tpu.memory_space<hbm>>) target(%dma_start3A_45 : memref<80xi32, #tpu.memory_space<vmem>>) target_semaphore(%arg15 : memref<!tpu.dma_semaphore, #tpu.memory_space<semaphore_mem>>)
    %dma_start3A_49 = arith.constant 1 : i32
    %dma_start3A_50 = arith.constant 0 : i32
    %dma_start3A_51 = arith.constant 1 : i32
    %dma_start3A_52 = arith.constant 0 : i32
    %dma_start3A_53 = tpu.memref_slice %arg8[%dma_start3A_50, %dma_start3A_51, %dma_start3A_52] : memref<2x2x80xi32, #tpu.memory_space<vmem>> -> memref<1x1x80xi32, #tpu.memory_space<vmem>>
    %dma_start3A_54 = tpu.memref_squeeze %dma_start3A_53 : memref<1x1x80xi32, #tpu.memory_space<vmem>> -> memref<80xi32, #tpu.memory_space<vmem>>
    %dma_start3A_55 = arith.constant 0 : i32
    %dma_start3A_56 = tpu.memref_slice %arg4[%add3A, %dma_start3A_49, %dma_start3A_55] : memref<32x125x80xi32, #tpu.memory_space<hbm>> -> memref<1x1x80xi32, #tpu.memory_space<hbm>>
    %dma_start3A_57 = tpu.memref_squeeze %dma_start3A_56 : memref<1x1x80xi32, #tpu.memory_space<hbm>> -> memref<80xi32, #tpu.memory_space<hbm>>
    %dma_start3A_58 = arith.constant 0 : i32
    %dma_start3A_59 = tpu.memref_slice %arg8[%dma_start3A_50, %dma_start3A_51, %dma_start3A_58] : memref<2x2x80xi32, #tpu.memory_space<vmem>> -> memref<1x1x80xi32, #tpu.memory_space<vmem>>
    %dma_start3A_60 = tpu.memref_squeeze %dma_start3A_59 : memref<1x1x80xi32, #tpu.memory_space<vmem>> -> memref<80xi32, #tpu.memory_space<vmem>>
    %dma_start3A_61 = arith.constant 0 : i32
    %dma_start3A_62 = tpu.memref_slice %arg4[%add3A, %dma_start3A_49, %dma_start3A_61] : memref<32x125x80xi32, #tpu.memory_space<hbm>> -> memref<1x1x80xi32, #tpu.memory_space<hbm>>
    %dma_start3A_63 = tpu.memref_squeeze %dma_start3A_62 : memref<1x1x80xi32, #tpu.memory_space<hbm>> -> memref<80xi32, #tpu.memory_space<hbm>>
    tpu.enqueue_dma source(%dma_start3A_63 : memref<80xi32, #tpu.memory_space<hbm>>) target(%dma_start3A_60 : memref<80xi32, #tpu.memory_space<vmem>>) target_semaphore(%arg15 : memref<!tpu.dma_semaphore, #tpu.memory_space<semaphore_mem>>)
    %dma_wait3A = arith.constant 0 : i32
    %dma_wait3A_64 = arith.constant 0 : i32
    %dma_wait3A_65 = arith.constant 0 : i32
    %dma_wait3A_66 = arith.constant 0 : i32
    %dma_wait3A_67 = tpu.memref_slice %arg7[%dma_wait3A_64, %dma_wait3A_65, %dma_wait3A_66] : memref<2x2x80xi32, #tpu.memory_space<vmem>> -> memref<1x1x80xi32, #tpu.memory_space<vmem>>
    %dma_wait3A_68 = tpu.memref_squeeze %dma_wait3A_67 : memref<1x1x80xi32, #tpu.memory_space<vmem>> -> memref<80xi32, #tpu.memory_space<vmem>>
    %dma_wait3A_69 = arith.constant 0 : i32
    %dma_wait3A_70 = tpu.memref_slice %arg3[%add3A, %dma_wait3A, %dma_wait3A_69] : memref<32x125x80xi32, #tpu.memory_space<hbm>> -> memref<1x1x80xi32, #tpu.memory_space<hbm>>
    %dma_wait3A_71 = tpu.memref_squeeze %dma_wait3A_70 : memref<1x1x80xi32, #tpu.memory_space<hbm>> -> memref<80xi32, #tpu.memory_space<hbm>>
    %dma_wait3A_72 = arith.constant 0 : i32
    %dma_wait3A_73 = tpu.memref_slice %arg7[%dma_wait3A_64, %dma_wait3A_65, %dma_wait3A_72] : memref<2x2x80xi32, #tpu.memory_space<vmem>> -> memref<1x1x80xi32, #tpu.memory_space<vmem>>
    %dma_wait3A_74 = tpu.memref_squeeze %dma_wait3A_73 : memref<1x1x80xi32, #tpu.memory_space<vmem>> -> memref<80xi32, #tpu.memory_space<vmem>>
    %dma_wait3A_75 = arith.constant 0 : i32
    %dma_wait3A_76 = tpu.memref_slice %arg3[%add3A, %dma_wait3A, %dma_wait3A_75] : memref<32x125x80xi32, #tpu.memory_space<hbm>> -> memref<1x1x80xi32, #tpu.memory_space<hbm>>
    %dma_wait3A_77 = tpu.memref_squeeze %dma_wait3A_76 : memref<1x1x80xi32, #tpu.memory_space<hbm>> -> memref<80xi32, #tpu.memory_space<hbm>>
    tpu.wait_dma2 semaphore(%arg15 : memref<!tpu.dma_semaphore, #tpu.memory_space<semaphore_mem>>) src(%dma_wait3A_77 : memref<80xi32, #tpu.memory_space<hbm>>) dst(%dma_wait3A_74 : memref<80xi32, #tpu.memory_space<vmem>>)
    %dma_wait3A_78 = arith.constant 0 : i32
    %dma_wait3A_79 = arith.constant 0 : i32
    %dma_wait3A_80 = arith.constant 0 : i32
    %dma_wait3A_81 = arith.constant 0 : i32
    %dma_wait3A_82 = tpu.memref_slice %arg8[%dma_wait3A_79, %dma_wait3A_80, %dma_wait3A_81] : memref<2x2x80xi32, #tpu.memory_space<vmem>> -> memref<1x1x80xi32, #tpu.memory_space<vmem>>
    %dma_wait3A_83 = tpu.memref_squeeze %dma_wait3A_82 : memref<1x1x80xi32, #tpu.memory_space<vmem>> -> memref<80xi32, #tpu.memory_space<vmem>>
    %dma_wait3A_84 = arith.constant 0 : i32
    %dma_wait3A_85 = tpu.memref_slice %arg4[%add3A, %dma_wait3A_78, %dma_wait3A_84] : memref<32x125x80xi32, #tpu.memory_space<hbm>> -> memref<1x1x80xi32, #tpu.memory_space<hbm>>
    %dma_wait3A_86 = tpu.memref_squeeze %dma_wait3A_85 : memref<1x1x80xi32, #tpu.memory_space<hbm>> -> memref<80xi32, #tpu.memory_space<hbm>>
    %dma_wait3A_87 = arith.constant 0 : i32
    %dma_wait3A_88 = tpu.memref_slice %arg8[%dma_wait3A_79, %dma_wait3A_80, %dma_wait3A_87] : memref<2x2x80xi32, #tpu.memory_space<vmem>> -> memref<1x1x80xi32, #tpu.memory_space<vmem>>
    %dma_wait3A_89 = tpu.memref_squeeze %dma_wait3A_88 : memref<1x1x80xi32, #tpu.memory_space<vmem>> -> memref<80xi32, #tpu.memory_space<vmem>>
    %dma_wait3A_90 = arith.constant 0 : i32
    %dma_wait3A_91 = tpu.memref_slice %arg4[%add3A, %dma_wait3A_78, %dma_wait3A_90] : memref<32x125x80xi32, #tpu.memory_space<hbm>> -> memref<1x1x80xi32, #tpu.memory_space<hbm>>
    %dma_wait3A_92 = tpu.memref_squeeze %dma_wait3A_91 : memref<1x1x80xi32, #tpu.memory_space<hbm>> -> memref<80xi32, #tpu.memory_space<hbm>>
    tpu.wait_dma2 semaphore(%arg15 : memref<!tpu.dma_semaphore, #tpu.memory_space<semaphore_mem>>) src(%dma_wait3A_92 : memref<80xi32, #tpu.memory_space<hbm>>) dst(%dma_wait3A_89 : memref<80xi32, #tpu.memory_space<vmem>>)
    %dma_wait3A_93 = arith.constant 1 : i32
    %dma_wait3A_94 = arith.constant 0 : i32
    %dma_wait3A_95 = arith.constant 1 : i32
    %dma_wait3A_96 = arith.constant 0 : i32
    %dma_wait3A_97 = tpu.memref_slice %arg7[%dma_wait3A_94, %dma_wait3A_95, %dma_wait3A_96] : memref<2x2x80xi32, #tpu.memory_space<vmem>> -> memref<1x1x80xi32, #tpu.memory_space<vmem>>
    %dma_wait3A_98 = tpu.memref_squeeze %dma_wait3A_97 : memref<1x1x80xi32, #tpu.memory_space<vmem>> -> memref<80xi32, #tpu.memory_space<vmem>>
    %dma_wait3A_99 = arith.constant 0 : i32
    %dma_wait3A_100 = tpu.memref_slice %arg3[%add3A, %dma_wait3A_93, %dma_wait3A_99] : memref<32x125x80xi32, #tpu.memory_space<hbm>> -> memref<1x1x80xi32, #tpu.memory_space<hbm>>
    %dma_wait3A_101 = tpu.memref_squeeze %dma_wait3A_100 : memref<1x1x80xi32, #tpu.memory_space<hbm>> -> memref<80xi32, #tpu.memory_space<hbm>>
    %dma_wait3A_102 = arith.constant 0 : i32
    %dma_wait3A_103 = tpu.memref_slice %arg7[%dma_wait3A_94, %dma_wait3A_95, %dma_wait3A_102] : memref<2x2x80xi32, #tpu.memory_space<vmem>> -> memref<1x1x80xi32, #tpu.memory_space<vmem>>
    %dma_wait3A_104 = tpu.memref_squeeze %dma_wait3A_103 : memref<1x1x80xi32, #tpu.memory_space<vmem>> -> memref<80xi32, #tpu.memory_space<vmem>>
    %dma_wait3A_105 = arith.constant 0 : i32
    %dma_wait3A_106 = tpu.memref_slice %arg3[%add3A, %dma_wait3A_93, %dma_wait3A_105] : memref<32x125x80xi32, #tpu.memory_space<hbm>> -> memref<1x1x80xi32, #tpu.memory_space<hbm>>
    %dma_wait3A_107 = tpu.memref_squeeze %dma_wait3A_106 : memref<1x1x80xi32, #tpu.memory_space<hbm>> -> memref<80xi32, #tpu.memory_space<hbm>>
    tpu.wait_dma2 semaphore(%arg15 : memref<!tpu.dma_semaphore, #tpu.memory_space<semaphore_mem>>) src(%dma_wait3A_107 : memref<80xi32, #tpu.memory_space<hbm>>) dst(%dma_wait3A_104 : memref<80xi32, #tpu.memory_space<vmem>>)
    %dma_wait3A_108 = arith.constant 1 : i32
    %dma_wait3A_109 = arith.constant 0 : i32
    %dma_wait3A_110 = arith.constant 1 : i32
    %dma_wait3A_111 = arith.constant 0 : i32
    %dma_wait3A_112 = tpu.memref_slice %arg8[%dma_wait3A_109, %dma_wait3A_110, %dma_wait3A_111] : memref<2x2x80xi32, #tpu.memory_space<vmem>> -> memref<1x1x80xi32, #tpu.memory_space<vmem>>
    %dma_wait3A_113 = tpu.memref_squeeze %dma_wait3A_112 : memref<1x1x80xi32, #tpu.memory_space<vmem>> -> memref<80xi32, #tpu.memory_space<vmem>>
    %dma_wait3A_114 = arith.constant 0 : i32
    %dma_wait3A_115 = tpu.memref_slice %arg4[%add3A, %dma_wait3A_108, %dma_wait3A_114] : memref<32x125x80xi32, #tpu.memory_space<hbm>> -> memref<1x1x80xi32, #tpu.memory_space<hbm>>
    %dma_wait3A_116 = tpu.memref_squeeze %dma_wait3A_115 : memref<1x1x80xi32, #tpu.memory_space<hbm>> -> memref<80xi32, #tpu.memory_space<hbm>>
    %dma_wait3A_117 = arith.constant 0 : i32
    %dma_wait3A_118 = tpu.memref_slice %arg8[%dma_wait3A_109, %dma_wait3A_110, %dma_wait3A_117] : memref<2x2x80xi32, #tpu.memory_space<vmem>> -> memref<1x1x80xi32, #tpu.memory_space<vmem>>
    %dma_wait3A_119 = tpu.memref_squeeze %dma_wait3A_118 : memref<1x1x80xi32, #tpu.memory_space<vmem>> -> memref<80xi32, #tpu.memory_space<vmem>>
    %dma_wait3A_120 = arith.constant 0 : i32
    %dma_wait3A_121 = tpu.memref_slice %arg4[%add3A, %dma_wait3A_108, %dma_wait3A_120] : memref<32x125x80xi32, #tpu.memory_space<hbm>> -> memref<1x1x80xi32, #tpu.memory_space<hbm>>
    %dma_wait3A_122 = tpu.memref_squeeze %dma_wait3A_121 : memref<1x1x80xi32, #tpu.memory_space<hbm>> -> memref<80xi32, #tpu.memory_space<hbm>>
    tpu.wait_dma2 semaphore(%arg15 : memref<!tpu.dma_semaphore, #tpu.memory_space<semaphore_mem>>) src(%dma_wait3A_122 : memref<80xi32, #tpu.memory_space<hbm>>) dst(%dma_wait3A_119 : memref<80xi32, #tpu.memory_space<vmem>>)
    %dma_start3A_123 = arith.constant 0 : i32
    %dma_start3A_124 = arith.constant 0 : i32
    %dma_start3A_125 = arith.constant 0 : i32
    %dma_start3A_126 = arith.constant 0 : i32
    %dma_start3A_127 = arith.constant 0 : i32
    %dma_start3A_128 = tpu.memref_slice %arg9[%dma_start3A_125, %dma_start3A_126, %dma_start3A_127] : memref<2x80x128xf32, #tpu.memory_space<vmem>> -> memref<1x80x128xf32, #tpu.memory_space<vmem>>
    %dma_start3A_129 = tpu.memref_squeeze %dma_start3A_128 : memref<1x80x128xf32, #tpu.memory_space<vmem>> -> memref<80x128xf32, #tpu.memory_space<vmem>>
    %dma_start3A_130 = arith.constant 0 : i32
    %dma_start3A_131 = tpu.memref_slice %arg7[%dma_start3A_123, %dma_start3A_124, %dma_start3A_130] : memref<2x2x80xi32, #tpu.memory_space<vmem>> -> memref<1x1x80xi32, #tpu.memory_space<vmem>>
    %dma_start3A_132 = tpu.memref_squeeze %dma_start3A_131 : memref<1x1x80xi32, #tpu.memory_space<vmem>> -> memref<80xi32, #tpu.memory_space<vmem>>
    %dma_start3A_133 = arith.constant 0 : i32
    %dma_start3A_134 = arith.constant 0 : i32
    %dma_start3A_135 = tpu.memref_slice %arg2[%dma_start3A_133, %dma_start3A_134] : memref<10000x128xf32, #tpu.memory_space<hbm>> -> memref<10000x128xf32, #tpu.memory_space<hbm>>
    tpu.enqueue_indirect_dma source(%dma_start3A_135 : memref<10000x128xf32, #tpu.memory_space<hbm>>) target(%dma_start3A_129 : memref<80x128xf32, #tpu.memory_space<vmem>>) offsets(%dma_start3A_132 : memref<80xi32, #tpu.memory_space<vmem>>) semaphore(%arg11 : memref<!tpu.dma_semaphore, #tpu.memory_space<semaphore_mem>>)
    %scan3A = arith.constant 0 : i32
    %scan3A_136 = arith.constant 0 : i32
    %scan3A_137 = arith.constant 62 : i32
    %scan3A_138 = arith.addi %scan3A_136, %scan3A_137 : i32
    %scan3A_139 = arith.constant 1 : i32
    scf.for %scan3A_199 = %scan3A_136 to %scan3A_138 step %scan3A_139  : i32 {
      %mul3A_200 = arith.constant 2 : i32
      %mul3A_201 = arith.muli %mul3A_200, %scan3A_199 : i32
      %rem3A = arith.constant 2 : i32
      %rem3A_202 = arith.remsi %scan3A_199, %rem3A : i32
      %sub3A = arith.constant 1 : i32
      %sub3A_203 = arith.subi %sub3A, %rem3A_202 : i32
      %add3A_204 = arith.constant 2 : i32
      %add3A_205 = arith.addi %mul3A_201, %add3A_204 : i32
      %dma_start3A_206 = arith.constant 0 : i32
      %dma_start3A_207 = arith.constant 0 : i32
      %dma_start3A_208 = tpu.memref_slice %arg7[%sub3A_203, %dma_start3A_206, %dma_start3A_207] : memref<2x2x80xi32, #tpu.memory_space<vmem>> -> memref<1x1x80xi32, #tpu.memory_space<vmem>>
      %dma_start3A_209 = tpu.memref_squeeze %dma_start3A_208 : memref<1x1x80xi32, #tpu.memory_space<vmem>> -> memref<80xi32, #tpu.memory_space<vmem>>
      %dma_start3A_210 = arith.constant 0 : i32
      %dma_start3A_211 = tpu.memref_slice %arg3[%add3A, %add3A_205, %dma_start3A_210] : memref<32x125x80xi32, #tpu.memory_space<hbm>> -> memref<1x1x80xi32, #tpu.memory_space<hbm>>
      %dma_start3A_212 = tpu.memref_squeeze %dma_start3A_211 : memref<1x1x80xi32, #tpu.memory_space<hbm>> -> memref<80xi32, #tpu.memory_space<hbm>>
      %dma_start3A_213 = arith.constant 0 : i32
      %dma_start3A_214 = tpu.memref_slice %arg7[%sub3A_203, %dma_start3A_206, %dma_start3A_213] : memref<2x2x80xi32, #tpu.memory_space<vmem>> -> memref<1x1x80xi32, #tpu.memory_space<vmem>>
      %dma_start3A_215 = tpu.memref_squeeze %dma_start3A_214 : memref<1x1x80xi32, #tpu.memory_space<vmem>> -> memref<80xi32, #tpu.memory_space<vmem>>
      %dma_start3A_216 = arith.constant 0 : i32
      %dma_start3A_217 = tpu.memref_slice %arg3[%add3A, %add3A_205, %dma_start3A_216] : memref<32x125x80xi32, #tpu.memory_space<hbm>> -> memref<1x1x80xi32, #tpu.memory_space<hbm>>
      %dma_start3A_218 = tpu.memref_squeeze %dma_start3A_217 : memref<1x1x80xi32, #tpu.memory_space<hbm>> -> memref<80xi32, #tpu.memory_space<hbm>>
      tpu.enqueue_dma source(%dma_start3A_218 : memref<80xi32, #tpu.memory_space<hbm>>) target(%dma_start3A_215 : memref<80xi32, #tpu.memory_space<vmem>>) target_semaphore(%arg15 : memref<!tpu.dma_semaphore, #tpu.memory_space<semaphore_mem>>)
      %dma_start3A_219 = arith.constant 0 : i32
      %dma_start3A_220 = arith.constant 0 : i32
      %dma_start3A_221 = tpu.memref_slice %arg8[%sub3A_203, %dma_start3A_219, %dma_start3A_220] : memref<2x2x80xi32, #tpu.memory_space<vmem>> -> memref<1x1x80xi32, #tpu.memory_space<vmem>>
      %dma_start3A_222 = tpu.memref_squeeze %dma_start3A_221 : memref<1x1x80xi32, #tpu.memory_space<vmem>> -> memref<80xi32, #tpu.memory_space<vmem>>
      %dma_start3A_223 = arith.constant 0 : i32
      %dma_start3A_224 = tpu.memref_slice %arg4[%add3A, %add3A_205, %dma_start3A_223] : memref<32x125x80xi32, #tpu.memory_space<hbm>> -> memref<1x1x80xi32, #tpu.memory_space<hbm>>
      %dma_start3A_225 = tpu.memref_squeeze %dma_start3A_224 : memref<1x1x80xi32, #tpu.memory_space<hbm>> -> memref<80xi32, #tpu.memory_space<hbm>>
      %dma_start3A_226 = arith.constant 0 : i32
      %dma_start3A_227 = tpu.memref_slice %arg8[%sub3A_203, %dma_start3A_219, %dma_start3A_226] : memref<2x2x80xi32, #tpu.memory_space<vmem>> -> memref<1x1x80xi32, #tpu.memory_space<vmem>>
      %dma_start3A_228 = tpu.memref_squeeze %dma_start3A_227 : memref<1x1x80xi32, #tpu.memory_space<vmem>> -> memref<80xi32, #tpu.memory_space<vmem>>
      %dma_start3A_229 = arith.constant 0 : i32
      %dma_start3A_230 = tpu.memref_slice %arg4[%add3A, %add3A_205, %dma_start3A_229] : memref<32x125x80xi32, #tpu.memory_space<hbm>> -> memref<1x1x80xi32, #tpu.memory_space<hbm>>
      %dma_start3A_231 = tpu.memref_squeeze %dma_start3A_230 : memref<1x1x80xi32, #tpu.memory_space<hbm>> -> memref<80xi32, #tpu.memory_space<hbm>>
      tpu.enqueue_dma source(%dma_start3A_231 : memref<80xi32, #tpu.memory_space<hbm>>) target(%dma_start3A_228 : memref<80xi32, #tpu.memory_space<vmem>>) target_semaphore(%arg15 : memref<!tpu.dma_semaphore, #tpu.memory_space<semaphore_mem>>)
      %lt3A = arith.constant 61 : i32
      %lt3A_232 = arith.cmpi slt, %scan3A_199, %lt3A : i32
      %convert_element_type3A_233 = arith.extui %lt3A_232 : i1 to i32
      %cond3A_234 = arith.constant 0 : i32
      %cond3A_235 = arith.cmpi ne, %convert_element_type3A_233, %cond3A_234 : i32
      scf.if %cond3A_235 {
        %add3A_357 = arith.constant 3 : i32
        %add3A_358 = arith.addi %mul3A_201, %add3A_357 : i32
        %dma_start3A_359 = arith.constant 1 : i32
        %dma_start3A_360 = arith.constant 0 : i32
        %dma_start3A_361 = tpu.memref_slice %arg7[%sub3A_203, %dma_start3A_359, %dma_start3A_360] : memref<2x2x80xi32, #tpu.memory_space<vmem>> -> memref<1x1x80xi32, #tpu.memory_space<vmem>>
        %dma_start3A_362 = tpu.memref_squeeze %dma_start3A_361 : memref<1x1x80xi32, #tpu.memory_space<vmem>> -> memref<80xi32, #tpu.memory_space<vmem>>
        %dma_start3A_363 = arith.constant 0 : i32
        %dma_start3A_364 = tpu.memref_slice %arg3[%add3A, %add3A_358, %dma_start3A_363] : memref<32x125x80xi32, #tpu.memory_space<hbm>> -> memref<1x1x80xi32, #tpu.memory_space<hbm>>
        %dma_start3A_365 = tpu.memref_squeeze %dma_start3A_364 : memref<1x1x80xi32, #tpu.memory_space<hbm>> -> memref<80xi32, #tpu.memory_space<hbm>>
        %dma_start3A_366 = arith.constant 0 : i32
        %dma_start3A_367 = tpu.memref_slice %arg7[%sub3A_203, %dma_start3A_359, %dma_start3A_366] : memref<2x2x80xi32, #tpu.memory_space<vmem>> -> memref<1x1x80xi32, #tpu.memory_space<vmem>>
        %dma_start3A_368 = tpu.memref_squeeze %dma_start3A_367 : memref<1x1x80xi32, #tpu.memory_space<vmem>> -> memref<80xi32, #tpu.memory_space<vmem>>
        %dma_start3A_369 = arith.constant 0 : i32
        %dma_start3A_370 = tpu.memref_slice %arg3[%add3A, %add3A_358, %dma_start3A_369] : memref<32x125x80xi32, #tpu.memory_space<hbm>> -> memref<1x1x80xi32, #tpu.memory_space<hbm>>
        %dma_start3A_371 = tpu.memref_squeeze %dma_start3A_370 : memref<1x1x80xi32, #tpu.memory_space<hbm>> -> memref<80xi32, #tpu.memory_space<hbm>>
        tpu.enqueue_dma source(%dma_start3A_371 : memref<80xi32, #tpu.memory_space<hbm>>) target(%dma_start3A_368 : memref<80xi32, #tpu.memory_space<vmem>>) target_semaphore(%arg15 : memref<!tpu.dma_semaphore, #tpu.memory_space<semaphore_mem>>)
        %dma_start3A_372 = arith.constant 1 : i32
        %dma_start3A_373 = arith.constant 0 : i32
        %dma_start3A_374 = tpu.memref_slice %arg8[%sub3A_203, %dma_start3A_372, %dma_start3A_373] : memref<2x2x80xi32, #tpu.memory_space<vmem>> -> memref<1x1x80xi32, #tpu.memory_space<vmem>>
        %dma_start3A_375 = tpu.memref_squeeze %dma_start3A_374 : memref<1x1x80xi32, #tpu.memory_space<vmem>> -> memref<80xi32, #tpu.memory_space<vmem>>
        %dma_start3A_376 = arith.constant 0 : i32
        %dma_start3A_377 = tpu.memref_slice %arg4[%add3A, %add3A_358, %dma_start3A_376] : memref<32x125x80xi32, #tpu.memory_space<hbm>> -> memref<1x1x80xi32, #tpu.memory_space<hbm>>
        %dma_start3A_378 = tpu.memref_squeeze %dma_start3A_377 : memref<1x1x80xi32, #tpu.memory_space<hbm>> -> memref<80xi32, #tpu.memory_space<hbm>>
        %dma_start3A_379 = arith.constant 0 : i32
        %dma_start3A_380 = tpu.memref_slice %arg8[%sub3A_203, %dma_start3A_372, %dma_start3A_379] : memref<2x2x80xi32, #tpu.memory_space<vmem>> -> memref<1x1x80xi32, #tpu.memory_space<vmem>>
        %dma_start3A_381 = tpu.memref_squeeze %dma_start3A_380 : memref<1x1x80xi32, #tpu.memory_space<vmem>> -> memref<80xi32, #tpu.memory_space<vmem>>
        %dma_start3A_382 = arith.constant 0 : i32
        %dma_start3A_383 = tpu.memref_slice %arg4[%add3A, %add3A_358, %dma_start3A_382] : memref<32x125x80xi32, #tpu.memory_space<hbm>> -> memref<1x1x80xi32, #tpu.memory_space<hbm>>
        %dma_start3A_384 = tpu.memref_squeeze %dma_start3A_383 : memref<1x1x80xi32, #tpu.memory_space<hbm>> -> memref<80xi32, #tpu.memory_space<hbm>>
        tpu.enqueue_dma source(%dma_start3A_384 : memref<80xi32, #tpu.memory_space<hbm>>) target(%dma_start3A_381 : memref<80xi32, #tpu.memory_space<vmem>>) target_semaphore(%arg15 : memref<!tpu.dma_semaphore, #tpu.memory_space<semaphore_mem>>)
      } else {
      }
      %gt3A = arith.constant 0 : i32
      %gt3A_236 = arith.cmpi sgt, %scan3A_199, %gt3A : i32
      %convert_element_type3A_237 = arith.extui %gt3A_236 : i1 to i32
      %cond3A_238 = arith.constant 0 : i32
      %cond3A_239 = arith.cmpi ne, %convert_element_type3A_237, %cond3A_238 : i32
      scf.if %cond3A_239 {
        %dma_wait3A_357 = arith.constant 1 : i32
        %dma_wait3A_358 = arith.constant 1 : i32
        %dma_wait3A_359 = arith.constant 0 : i32
        %dma_wait3A_360 = arith.constant 0 : i32
        %dma_wait3A_361 = tpu.memref_slice %arg9[%dma_wait3A_357, %dma_wait3A_359, %dma_wait3A_360] : memref<2x80x128xf32, #tpu.memory_space<vmem>> -> memref<1x80x128xf32, #tpu.memory_space<vmem>>
        %dma_wait3A_362 = tpu.memref_squeeze %dma_wait3A_361 : memref<1x80x128xf32, #tpu.memory_space<vmem>> -> memref<80x128xf32, #tpu.memory_space<vmem>>
        %dma_wait3A_363 = arith.constant 0 : i32
        %dma_wait3A_364 = tpu.memref_slice %arg8[%rem3A_202, %dma_wait3A_358, %dma_wait3A_363] : memref<2x2x80xi32, #tpu.memory_space<vmem>> -> memref<1x1x80xi32, #tpu.memory_space<vmem>>
        %dma_wait3A_365 = tpu.memref_squeeze %dma_wait3A_364 : memref<1x1x80xi32, #tpu.memory_space<vmem>> -> memref<80xi32, #tpu.memory_space<vmem>>
        %dma_wait3A_366 = arith.constant 0 : i32
        %dma_wait3A_367 = arith.constant 0 : i32
        %dma_wait3A_368 = tpu.memref_slice %arg10[%dma_wait3A_366, %dma_wait3A_367] : memref<10000x128xf32, #tpu.memory_space<vmem_shared>> -> memref<10000x128xf32, #tpu.memory_space<vmem_shared>>
        tpu.wait_indirect_dma semaphore(%arg14 : memref<!tpu.dma_semaphore, #tpu.memory_space<semaphore_mem>>) src(%dma_wait3A_362 : memref<80x128xf32, #tpu.memory_space<vmem>>) dst(%dma_wait3A_368 : memref<10000x128xf32, #tpu.memory_space<vmem_shared>>)
      } else {
      }
      %dma_start3A_240 = arith.constant 1 : i32
      %dma_start3A_241 = arith.constant 1 : i32
      %dma_start3A_242 = arith.constant 0 : i32
      %dma_start3A_243 = arith.constant 0 : i32
      %dma_start3A_244 = tpu.memref_slice %arg9[%dma_start3A_241, %dma_start3A_242, %dma_start3A_243] : memref<2x80x128xf32, #tpu.memory_space<vmem>> -> memref<1x80x128xf32, #tpu.memory_space<vmem>>
      %dma_start3A_245 = tpu.memref_squeeze %dma_start3A_244 : memref<1x80x128xf32, #tpu.memory_space<vmem>> -> memref<80x128xf32, #tpu.memory_space<vmem>>
      %dma_start3A_246 = arith.constant 0 : i32
      %dma_start3A_247 = tpu.memref_slice %arg7[%rem3A_202, %dma_start3A_240, %dma_start3A_246] : memref<2x2x80xi32, #tpu.memory_space<vmem>> -> memref<1x1x80xi32, #tpu.memory_space<vmem>>
      %dma_start3A_248 = tpu.memref_squeeze %dma_start3A_247 : memref<1x1x80xi32, #tpu.memory_space<vmem>> -> memref<80xi32, #tpu.memory_space<vmem>>
      %dma_start3A_249 = arith.constant 0 : i32
      %dma_start3A_250 = arith.constant 0 : i32
      %dma_start3A_251 = tpu.memref_slice %arg2[%dma_start3A_249, %dma_start3A_250] : memref<10000x128xf32, #tpu.memory_space<hbm>> -> memref<10000x128xf32, #tpu.memory_space<hbm>>
      tpu.enqueue_indirect_dma source(%dma_start3A_251 : memref<10000x128xf32, #tpu.memory_space<hbm>>) target(%dma_start3A_245 : memref<80x128xf32, #tpu.memory_space<vmem>>) offsets(%dma_start3A_248 : memref<80xi32, #tpu.memory_space<vmem>>) semaphore(%arg12 : memref<!tpu.dma_semaphore, #tpu.memory_space<semaphore_mem>>)
      %dma_wait3A_252 = arith.constant 0 : i32
      %dma_wait3A_253 = arith.constant 0 : i32
      %dma_wait3A_254 = arith.constant 0 : i32
      %dma_wait3A_255 = arith.constant 0 : i32
      %dma_wait3A_256 = tpu.memref_slice %arg9[%dma_wait3A_253, %dma_wait3A_254, %dma_wait3A_255] : memref<2x80x128xf32, #tpu.memory_space<vmem>> -> memref<1x80x128xf32, #tpu.memory_space<vmem>>
      %dma_wait3A_257 = tpu.memref_squeeze %dma_wait3A_256 : memref<1x80x128xf32, #tpu.memory_space<vmem>> -> memref<80x128xf32, #tpu.memory_space<vmem>>
      %dma_wait3A_258 = arith.constant 0 : i32
      %dma_wait3A_259 = tpu.memref_slice %arg7[%rem3A_202, %dma_wait3A_252, %dma_wait3A_258] : memref<2x2x80xi32, #tpu.memory_space<vmem>> -> memref<1x1x80xi32, #tpu.memory_space<vmem>>
      %dma_wait3A_260 = tpu.memref_squeeze %dma_wait3A_259 : memref<1x1x80xi32, #tpu.memory_space<vmem>> -> memref<80xi32, #tpu.memory_space<vmem>>
      %dma_wait3A_261 = arith.constant 0 : i32
      %dma_wait3A_262 = arith.constant 0 : i32
      %dma_wait3A_263 = tpu.memref_slice %arg2[%dma_wait3A_261, %dma_wait3A_262] : memref<10000x128xf32, #tpu.memory_space<hbm>> -> memref<10000x128xf32, #tpu.memory_space<hbm>>
      tpu.wait_indirect_dma semaphore(%arg11 : memref<!tpu.dma_semaphore, #tpu.memory_space<semaphore_mem>>) src(%dma_wait3A_263 : memref<10000x128xf32, #tpu.memory_space<hbm>>) dst(%dma_wait3A_257 : memref<80x128xf32, #tpu.memory_space<vmem>>)
      %dma_start3A_264 = arith.constant 0 : i32
      %dma_start3A_265 = arith.constant 0 : i32
      %dma_start3A_266 = arith.constant 0 : i32
      %dma_start3A_267 = arith.constant 0 : i32
      %dma_start3A_268 = tpu.memref_slice %arg9[%dma_start3A_264, %dma_start3A_266, %dma_start3A_267] : memref<2x80x128xf32, #tpu.memory_space<vmem>> -> memref<1x80x128xf32, #tpu.memory_space<vmem>>
      %dma_start3A_269 = tpu.memref_squeeze %dma_start3A_268 : memref<1x80x128xf32, #tpu.memory_space<vmem>> -> memref<80x128xf32, #tpu.memory_space<vmem>>
      %dma_start3A_270 = arith.constant 0 : i32
      %dma_start3A_271 = tpu.memref_slice %arg8[%rem3A_202, %dma_start3A_265, %dma_start3A_270] : memref<2x2x80xi32, #tpu.memory_space<vmem>> -> memref<1x1x80xi32, #tpu.memory_space<vmem>>
      %dma_start3A_272 = tpu.memref_squeeze %dma_start3A_271 : memref<1x1x80xi32, #tpu.memory_space<vmem>> -> memref<80xi32, #tpu.memory_space<vmem>>
      %dma_start3A_273 = arith.constant 0 : i32
      %dma_start3A_274 = arith.constant 0 : i32
      %dma_start3A_275 = tpu.memref_slice %arg10[%dma_start3A_273, %dma_start3A_274] : memref<10000x128xf32, #tpu.memory_space<vmem_shared>> -> memref<10000x128xf32, #tpu.memory_space<vmem_shared>>
      tpu.enqueue_indirect_dma source(%dma_start3A_269 : memref<80x128xf32, #tpu.memory_space<vmem>>) target(%dma_start3A_275 : memref<10000x128xf32, #tpu.memory_space<vmem_shared>>) offsets(%dma_start3A_272 : memref<80xi32, #tpu.memory_space<vmem>>) semaphore(%arg13 : memref<!tpu.dma_semaphore, #tpu.memory_space<semaphore_mem>>) {add = true}
      %dma_wait3A_276 = arith.constant 1 : i32
      %dma_wait3A_277 = arith.constant 1 : i32
      %dma_wait3A_278 = arith.constant 0 : i32
      %dma_wait3A_279 = arith.constant 0 : i32
      %dma_wait3A_280 = tpu.memref_slice %arg9[%dma_wait3A_277, %dma_wait3A_278, %dma_wait3A_279] : memref<2x80x128xf32, #tpu.memory_space<vmem>> -> memref<1x80x128xf32, #tpu.memory_space<vmem>>
      %dma_wait3A_281 = tpu.memref_squeeze %dma_wait3A_280 : memref<1x80x128xf32, #tpu.memory_space<vmem>> -> memref<80x128xf32, #tpu.memory_space<vmem>>
      %dma_wait3A_282 = arith.constant 0 : i32
      %dma_wait3A_283 = tpu.memref_slice %arg7[%rem3A_202, %dma_wait3A_276, %dma_wait3A_282] : memref<2x2x80xi32, #tpu.memory_space<vmem>> -> memref<1x1x80xi32, #tpu.memory_space<vmem>>
      %dma_wait3A_284 = tpu.memref_squeeze %dma_wait3A_283 : memref<1x1x80xi32, #tpu.memory_space<vmem>> -> memref<80xi32, #tpu.memory_space<vmem>>
      %dma_wait3A_285 = arith.constant 0 : i32
      %dma_wait3A_286 = arith.constant 0 : i32
      %dma_wait3A_287 = tpu.memref_slice %arg2[%dma_wait3A_285, %dma_wait3A_286] : memref<10000x128xf32, #tpu.memory_space<hbm>> -> memref<10000x128xf32, #tpu.memory_space<hbm>>
      tpu.wait_indirect_dma semaphore(%arg12 : memref<!tpu.dma_semaphore, #tpu.memory_space<semaphore_mem>>) src(%dma_wait3A_287 : memref<10000x128xf32, #tpu.memory_space<hbm>>) dst(%dma_wait3A_281 : memref<80x128xf32, #tpu.memory_space<vmem>>)
      %dma_start3A_288 = arith.constant 1 : i32
      %dma_start3A_289 = arith.constant 1 : i32
      %dma_start3A_290 = arith.constant 0 : i32
      %dma_start3A_291 = arith.constant 0 : i32
      %dma_start3A_292 = tpu.memref_slice %arg9[%dma_start3A_288, %dma_start3A_290, %dma_start3A_291] : memref<2x80x128xf32, #tpu.memory_space<vmem>> -> memref<1x80x128xf32, #tpu.memory_space<vmem>>
      %dma_start3A_293 = tpu.memref_squeeze %dma_start3A_292 : memref<1x80x128xf32, #tpu.memory_space<vmem>> -> memref<80x128xf32, #tpu.memory_space<vmem>>
      %dma_start3A_294 = arith.constant 0 : i32
      %dma_start3A_295 = tpu.memref_slice %arg8[%rem3A_202, %dma_start3A_289, %dma_start3A_294] : memref<2x2x80xi32, #tpu.memory_space<vmem>> -> memref<1x1x80xi32, #tpu.memory_space<vmem>>
      %dma_start3A_296 = tpu.memref_squeeze %dma_start3A_295 : memref<1x1x80xi32, #tpu.memory_space<vmem>> -> memref<80xi32, #tpu.memory_space<vmem>>
      %dma_start3A_297 = arith.constant 0 : i32
      %dma_start3A_298 = arith.constant 0 : i32
      %dma_start3A_299 = tpu.memref_slice %arg10[%dma_start3A_297, %dma_start3A_298] : memref<10000x128xf32, #tpu.memory_space<vmem_shared>> -> memref<10000x128xf32, #tpu.memory_space<vmem_shared>>
      tpu.enqueue_indirect_dma source(%dma_start3A_293 : memref<80x128xf32, #tpu.memory_space<vmem>>) target(%dma_start3A_299 : memref<10000x128xf32, #tpu.memory_space<vmem_shared>>) offsets(%dma_start3A_296 : memref<80xi32, #tpu.memory_space<vmem>>) semaphore(%arg14 : memref<!tpu.dma_semaphore, #tpu.memory_space<semaphore_mem>>) {add = true}
      %dma_wait3A_300 = arith.constant 0 : i32
      %dma_wait3A_301 = arith.constant 0 : i32
      %dma_wait3A_302 = arith.constant 0 : i32
      %dma_wait3A_303 = arith.constant 0 : i32
      %dma_wait3A_304 = tpu.memref_slice %arg9[%dma_wait3A_300, %dma_wait3A_302, %dma_wait3A_303] : memref<2x80x128xf32, #tpu.memory_space<vmem>> -> memref<1x80x128xf32, #tpu.memory_space<vmem>>
      %dma_wait3A_305 = tpu.memref_squeeze %dma_wait3A_304 : memref<1x80x128xf32, #tpu.memory_space<vmem>> -> memref<80x128xf32, #tpu.memory_space<vmem>>
      %dma_wait3A_306 = arith.constant 0 : i32
      %dma_wait3A_307 = tpu.memref_slice %arg8[%rem3A_202, %dma_wait3A_301, %dma_wait3A_306] : memref<2x2x80xi32, #tpu.memory_space<vmem>> -> memref<1x1x80xi32, #tpu.memory_space<vmem>>
      %dma_wait3A_308 = tpu.memref_squeeze %dma_wait3A_307 : memref<1x1x80xi32, #tpu.memory_space<vmem>> -> memref<80xi32, #tpu.memory_space<vmem>>
      %dma_wait3A_309 = arith.constant 0 : i32
      %dma_wait3A_310 = arith.constant 0 : i32
      %dma_wait3A_311 = tpu.memref_slice %arg10[%dma_wait3A_309, %dma_wait3A_310] : memref<10000x128xf32, #tpu.memory_space<vmem_shared>> -> memref<10000x128xf32, #tpu.memory_space<vmem_shared>>
      tpu.wait_indirect_dma semaphore(%arg13 : memref<!tpu.dma_semaphore, #tpu.memory_space<semaphore_mem>>) src(%dma_wait3A_305 : memref<80x128xf32, #tpu.memory_space<vmem>>) dst(%dma_wait3A_311 : memref<10000x128xf32, #tpu.memory_space<vmem_shared>>)
      %add3A_312 = arith.constant 2 : i32
      %add3A_313 = arith.addi %mul3A_201, %add3A_312 : i32
      %dma_wait3A_314 = arith.constant 0 : i32
      %dma_wait3A_315 = arith.constant 0 : i32
      %dma_wait3A_316 = tpu.memref_slice %arg7[%sub3A_203, %dma_wait3A_314, %dma_wait3A_315] : memref<2x2x80xi32, #tpu.memory_space<vmem>> -> memref<1x1x80xi32, #tpu.memory_space<vmem>>
      %dma_wait3A_317 = tpu.memref_squeeze %dma_wait3A_316 : memref<1x1x80xi32, #tpu.memory_space<vmem>> -> memref<80xi32, #tpu.memory_space<vmem>>
      %dma_wait3A_318 = arith.constant 0 : i32
      %dma_wait3A_319 = tpu.memref_slice %arg3[%add3A, %add3A_313, %dma_wait3A_318] : memref<32x125x80xi32, #tpu.memory_space<hbm>> -> memref<1x1x80xi32, #tpu.memory_space<hbm>>
      %dma_wait3A_320 = tpu.memref_squeeze %dma_wait3A_319 : memref<1x1x80xi32, #tpu.memory_space<hbm>> -> memref<80xi32, #tpu.memory_space<hbm>>
      %dma_wait3A_321 = arith.constant 0 : i32
      %dma_wait3A_322 = tpu.memref_slice %arg7[%sub3A_203, %dma_wait3A_314, %dma_wait3A_321] : memref<2x2x80xi32, #tpu.memory_space<vmem>> -> memref<1x1x80xi32, #tpu.memory_space<vmem>>
      %dma_wait3A_323 = tpu.memref_squeeze %dma_wait3A_322 : memref<1x1x80xi32, #tpu.memory_space<vmem>> -> memref<80xi32, #tpu.memory_space<vmem>>
      %dma_wait3A_324 = arith.constant 0 : i32
      %dma_wait3A_325 = tpu.memref_slice %arg3[%add3A, %add3A_313, %dma_wait3A_324] : memref<32x125x80xi32, #tpu.memory_space<hbm>> -> memref<1x1x80xi32, #tpu.memory_space<hbm>>
      %dma_wait3A_326 = tpu.memref_squeeze %dma_wait3A_325 : memref<1x1x80xi32, #tpu.memory_space<hbm>> -> memref<80xi32, #tpu.memory_space<hbm>>
      tpu.wait_dma2 semaphore(%arg15 : memref<!tpu.dma_semaphore, #tpu.memory_space<semaphore_mem>>) src(%dma_wait3A_326 : memref<80xi32, #tpu.memory_space<hbm>>) dst(%dma_wait3A_323 : memref<80xi32, #tpu.memory_space<vmem>>)
      %dma_wait3A_327 = arith.constant 0 : i32
      %dma_wait3A_328 = arith.constant 0 : i32
      %dma_wait3A_329 = tpu.memref_slice %arg8[%sub3A_203, %dma_wait3A_327, %dma_wait3A_328] : memref<2x2x80xi32, #tpu.memory_space<vmem>> -> memref<1x1x80xi32, #tpu.memory_space<vmem>>
      %dma_wait3A_330 = tpu.memref_squeeze %dma_wait3A_329 : memref<1x1x80xi32, #tpu.memory_space<vmem>> -> memref<80xi32, #tpu.memory_space<vmem>>
      %dma_wait3A_331 = arith.constant 0 : i32
      %dma_wait3A_332 = tpu.memref_slice %arg4[%add3A, %add3A_313, %dma_wait3A_331] : memref<32x125x80xi32, #tpu.memory_space<hbm>> -> memref<1x1x80xi32, #tpu.memory_space<hbm>>
      %dma_wait3A_333 = tpu.memref_squeeze %dma_wait3A_332 : memref<1x1x80xi32, #tpu.memory_space<hbm>> -> memref<80xi32, #tpu.memory_space<hbm>>
      %dma_wait3A_334 = arith.constant 0 : i32
      %dma_wait3A_335 = tpu.memref_slice %arg8[%sub3A_203, %dma_wait3A_327, %dma_wait3A_334] : memref<2x2x80xi32, #tpu.memory_space<vmem>> -> memref<1x1x80xi32, #tpu.memory_space<vmem>>
      %dma_wait3A_336 = tpu.memref_squeeze %dma_wait3A_335 : memref<1x1x80xi32, #tpu.memory_space<vmem>> -> memref<80xi32, #tpu.memory_space<vmem>>
      %dma_wait3A_337 = arith.constant 0 : i32
      %dma_wait3A_338 = tpu.memref_slice %arg4[%add3A, %add3A_313, %dma_wait3A_337] : memref<32x125x80xi32, #tpu.memory_space<hbm>> -> memref<1x1x80xi32, #tpu.memory_space<hbm>>
      %dma_wait3A_339 = tpu.memref_squeeze %dma_wait3A_338 : memref<1x1x80xi32, #tpu.memory_space<hbm>> -> memref<80xi32, #tpu.memory_space<hbm>>
      tpu.wait_dma2 semaphore(%arg15 : memref<!tpu.dma_semaphore, #tpu.memory_space<semaphore_mem>>) src(%dma_wait3A_339 : memref<80xi32, #tpu.memory_space<hbm>>) dst(%dma_wait3A_336 : memref<80xi32, #tpu.memory_space<vmem>>)
      %lt3A_340 = arith.constant 61 : i32
      %lt3A_341 = arith.cmpi slt, %scan3A_199, %lt3A_340 : i32
      %convert_element_type3A_342 = arith.extui %lt3A_341 : i1 to i32
      %cond3A_343 = arith.constant 0 : i32
      %cond3A_344 = arith.cmpi ne, %convert_element_type3A_342, %cond3A_343 : i32
      scf.if %cond3A_344 {
        %add3A_357 = arith.constant 3 : i32
        %add3A_358 = arith.addi %mul3A_201, %add3A_357 : i32
        %dma_wait3A_359 = arith.constant 1 : i32
        %dma_wait3A_360 = arith.constant 0 : i32
        %dma_wait3A_361 = tpu.memref_slice %arg7[%sub3A_203, %dma_wait3A_359, %dma_wait3A_360] : memref<2x2x80xi32, #tpu.memory_space<vmem>> -> memref<1x1x80xi32, #tpu.memory_space<vmem>>
        %dma_wait3A_362 = tpu.memref_squeeze %dma_wait3A_361 : memref<1x1x80xi32, #tpu.memory_space<vmem>> -> memref<80xi32, #tpu.memory_space<vmem>>
        %dma_wait3A_363 = arith.constant 0 : i32
        %dma_wait3A_364 = tpu.memref_slice %arg3[%add3A, %add3A_358, %dma_wait3A_363] : memref<32x125x80xi32, #tpu.memory_space<hbm>> -> memref<1x1x80xi32, #tpu.memory_space<hbm>>
        %dma_wait3A_365 = tpu.memref_squeeze %dma_wait3A_364 : memref<1x1x80xi32, #tpu.memory_space<hbm>> -> memref<80xi32, #tpu.memory_space<hbm>>
        %dma_wait3A_366 = arith.constant 0 : i32
        %dma_wait3A_367 = tpu.memref_slice %arg7[%sub3A_203, %dma_wait3A_359, %dma_wait3A_366] : memref<2x2x80xi32, #tpu.memory_space<vmem>> -> memref<1x1x80xi32, #tpu.memory_space<vmem>>
        %dma_wait3A_368 = tpu.memref_squeeze %dma_wait3A_367 : memref<1x1x80xi32, #tpu.memory_space<vmem>> -> memref<80xi32, #tpu.memory_space<vmem>>
        %dma_wait3A_369 = arith.constant 0 : i32
        %dma_wait3A_370 = tpu.memref_slice %arg3[%add3A, %add3A_358, %dma_wait3A_369] : memref<32x125x80xi32, #tpu.memory_space<hbm>> -> memref<1x1x80xi32, #tpu.memory_space<hbm>>
        %dma_wait3A_371 = tpu.memref_squeeze %dma_wait3A_370 : memref<1x1x80xi32, #tpu.memory_space<hbm>> -> memref<80xi32, #tpu.memory_space<hbm>>
        tpu.wait_dma2 semaphore(%arg15 : memref<!tpu.dma_semaphore, #tpu.memory_space<semaphore_mem>>) src(%dma_wait3A_371 : memref<80xi32, #tpu.memory_space<hbm>>) dst(%dma_wait3A_368 : memref<80xi32, #tpu.memory_space<vmem>>)
        %dma_wait3A_372 = arith.constant 1 : i32
        %dma_wait3A_373 = arith.constant 0 : i32
        %dma_wait3A_374 = tpu.memref_slice %arg8[%sub3A_203, %dma_wait3A_372, %dma_wait3A_373] : memref<2x2x80xi32, #tpu.memory_space<vmem>> -> memref<1x1x80xi32, #tpu.memory_space<vmem>>
        %dma_wait3A_375 = tpu.memref_squeeze %dma_wait3A_374 : memref<1x1x80xi32, #tpu.memory_space<vmem>> -> memref<80xi32, #tpu.memory_space<vmem>>
        %dma_wait3A_376 = arith.constant 0 : i32
        %dma_wait3A_377 = tpu.memref_slice %arg4[%add3A, %add3A_358, %dma_wait3A_376] : memref<32x125x80xi32, #tpu.memory_space<hbm>> -> memref<1x1x80xi32, #tpu.memory_space<hbm>>
        %dma_wait3A_378 = tpu.memref_squeeze %dma_wait3A_377 : memref<1x1x80xi32, #tpu.memory_space<hbm>> -> memref<80xi32, #tpu.memory_space<hbm>>
        %dma_wait3A_379 = arith.constant 0 : i32
        %dma_wait3A_380 = tpu.memref_slice %arg8[%sub3A_203, %dma_wait3A_372, %dma_wait3A_379] : memref<2x2x80xi32, #tpu.memory_space<vmem>> -> memref<1x1x80xi32, #tpu.memory_space<vmem>>
        %dma_wait3A_381 = tpu.memref_squeeze %dma_wait3A_380 : memref<1x1x80xi32, #tpu.memory_space<vmem>> -> memref<80xi32, #tpu.memory_space<vmem>>
        %dma_wait3A_382 = arith.constant 0 : i32
        %dma_wait3A_383 = tpu.memref_slice %arg4[%add3A, %add3A_358, %dma_wait3A_382] : memref<32x125x80xi32, #tpu.memory_space<hbm>> -> memref<1x1x80xi32, #tpu.memory_space<hbm>>
        %dma_wait3A_384 = tpu.memref_squeeze %dma_wait3A_383 : memref<1x1x80xi32, #tpu.memory_space<hbm>> -> memref<80xi32, #tpu.memory_space<hbm>>
        tpu.wait_dma2 semaphore(%arg15 : memref<!tpu.dma_semaphore, #tpu.memory_space<semaphore_mem>>) src(%dma_wait3A_384 : memref<80xi32, #tpu.memory_space<hbm>>) dst(%dma_wait3A_381 : memref<80xi32, #tpu.memory_space<vmem>>)
      } else {
      }
      %dma_start3A_345 = arith.constant 0 : i32
      %dma_start3A_346 = arith.constant 0 : i32
      %dma_start3A_347 = arith.constant 0 : i32
      %dma_start3A_348 = arith.constant 0 : i32
      %dma_start3A_349 = tpu.memref_slice %arg9[%dma_start3A_346, %dma_start3A_347, %dma_start3A_348] : memref<2x80x128xf32, #tpu.memory_space<vmem>> -> memref<1x80x128xf32, #tpu.memory_space<vmem>>
      %dma_start3A_350 = tpu.memref_squeeze %dma_start3A_349 : memref<1x80x128xf32, #tpu.memory_space<vmem>> -> memref<80x128xf32, #tpu.memory_space<vmem>>
      %dma_start3A_351 = arith.constant 0 : i32
      %dma_start3A_352 = tpu.memref_slice %arg7[%sub3A_203, %dma_start3A_345, %dma_start3A_351] : memref<2x2x80xi32, #tpu.memory_space<vmem>> -> memref<1x1x80xi32, #tpu.memory_space<vmem>>
      %dma_start3A_353 = tpu.memref_squeeze %dma_start3A_352 : memref<1x1x80xi32, #tpu.memory_space<vmem>> -> memref<80xi32, #tpu.memory_space<vmem>>
      %dma_start3A_354 = arith.constant 0 : i32
      %dma_start3A_355 = arith.constant 0 : i32
      %dma_start3A_356 = tpu.memref_slice %arg2[%dma_start3A_354, %dma_start3A_355] : memref<10000x128xf32, #tpu.memory_space<hbm>> -> memref<10000x128xf32, #tpu.memory_space<hbm>>
      tpu.enqueue_indirect_dma source(%dma_start3A_356 : memref<10000x128xf32, #tpu.memory_space<hbm>>) target(%dma_start3A_350 : memref<80x128xf32, #tpu.memory_space<vmem>>) offsets(%dma_start3A_353 : memref<80xi32, #tpu.memory_space<vmem>>) semaphore(%arg11 : memref<!tpu.dma_semaphore, #tpu.memory_space<semaphore_mem>>)
    }
    %scan3A_140 = arith.constant 62 : i32
    %dma_wait3A_141 = arith.constant 0 : i32
    %dma_wait3A_142 = arith.constant 0 : i32
    %dma_wait3A_143 = arith.constant 0 : i32
    %dma_wait3A_144 = arith.constant 0 : i32
    %dma_wait3A_145 = arith.constant 0 : i32
    %dma_wait3A_146 = tpu.memref_slice %arg9[%dma_wait3A_143, %dma_wait3A_144, %dma_wait3A_145] : memref<2x80x128xf32, #tpu.memory_space<vmem>> -> memref<1x80x128xf32, #tpu.memory_space<vmem>>
    %dma_wait3A_147 = tpu.memref_squeeze %dma_wait3A_146 : memref<1x80x128xf32, #tpu.memory_space<vmem>> -> memref<80x128xf32, #tpu.memory_space<vmem>>
    %dma_wait3A_148 = arith.constant 0 : i32
    %dma_wait3A_149 = tpu.memref_slice %arg7[%dma_wait3A_141, %dma_wait3A_142, %dma_wait3A_148] : memref<2x2x80xi32, #tpu.memory_space<vmem>> -> memref<1x1x80xi32, #tpu.memory_space<vmem>>
    %dma_wait3A_150 = tpu.memref_squeeze %dma_wait3A_149 : memref<1x1x80xi32, #tpu.memory_space<vmem>> -> memref<80xi32, #tpu.memory_space<vmem>>
    %dma_wait3A_151 = arith.constant 0 : i32
    %dma_wait3A_152 = arith.constant 0 : i32
    %dma_wait3A_153 = tpu.memref_slice %arg2[%dma_wait3A_151, %dma_wait3A_152] : memref<10000x128xf32, #tpu.memory_space<hbm>> -> memref<10000x128xf32, #tpu.memory_space<hbm>>
    tpu.wait_indirect_dma semaphore(%arg11 : memref<!tpu.dma_semaphore, #tpu.memory_space<semaphore_mem>>) src(%dma_wait3A_153 : memref<10000x128xf32, #tpu.memory_space<hbm>>) dst(%dma_wait3A_147 : memref<80x128xf32, #tpu.memory_space<vmem>>)
    %dma_start3A_154 = arith.constant 0 : i32
    %dma_start3A_155 = arith.constant 0 : i32
    %dma_start3A_156 = arith.constant 0 : i32
    %dma_start3A_157 = arith.constant 0 : i32
    %dma_start3A_158 = arith.constant 0 : i32
    %dma_start3A_159 = tpu.memref_slice %arg9[%dma_start3A_154, %dma_start3A_157, %dma_start3A_158] : memref<2x80x128xf32, #tpu.memory_space<vmem>> -> memref<1x80x128xf32, #tpu.memory_space<vmem>>
    %dma_start3A_160 = tpu.memref_squeeze %dma_start3A_159 : memref<1x80x128xf32, #tpu.memory_space<vmem>> -> memref<80x128xf32, #tpu.memory_space<vmem>>
    %dma_start3A_161 = arith.constant 0 : i32
    %dma_start3A_162 = tpu.memref_slice %arg8[%dma_start3A_155, %dma_start3A_156, %dma_start3A_161] : memref<2x2x80xi32, #tpu.memory_space<vmem>> -> memref<1x1x80xi32, #tpu.memory_space<vmem>>
    %dma_start3A_163 = tpu.memref_squeeze %dma_start3A_162 : memref<1x1x80xi32, #tpu.memory_space<vmem>> -> memref<80xi32, #tpu.memory_space<vmem>>
    %dma_start3A_164 = arith.constant 0 : i32
    %dma_start3A_165 = arith.constant 0 : i32
    %dma_start3A_166 = tpu.memref_slice %arg10[%dma_start3A_164, %dma_start3A_165] : memref<10000x128xf32, #tpu.memory_space<vmem_shared>> -> memref<10000x128xf32, #tpu.memory_space<vmem_shared>>
    tpu.enqueue_indirect_dma source(%dma_start3A_160 : memref<80x128xf32, #tpu.memory_space<vmem>>) target(%dma_start3A_166 : memref<10000x128xf32, #tpu.memory_space<vmem_shared>>) offsets(%dma_start3A_163 : memref<80xi32, #tpu.memory_space<vmem>>) semaphore(%arg13 : memref<!tpu.dma_semaphore, #tpu.memory_space<semaphore_mem>>) {add = true}
    %dma_wait3A_167 = arith.constant 1 : i32
    %dma_wait3A_168 = arith.constant 1 : i32
    %dma_wait3A_169 = arith.constant 1 : i32
    %dma_wait3A_170 = arith.constant 0 : i32
    %dma_wait3A_171 = arith.constant 0 : i32
    %dma_wait3A_172 = tpu.memref_slice %arg9[%dma_wait3A_167, %dma_wait3A_170, %dma_wait3A_171] : memref<2x80x128xf32, #tpu.memory_space<vmem>> -> memref<1x80x128xf32, #tpu.memory_space<vmem>>
    %dma_wait3A_173 = tpu.memref_squeeze %dma_wait3A_172 : memref<1x80x128xf32, #tpu.memory_space<vmem>> -> memref<80x128xf32, #tpu.memory_space<vmem>>
    %dma_wait3A_174 = arith.constant 0 : i32
    %dma_wait3A_175 = tpu.memref_slice %arg8[%dma_wait3A_168, %dma_wait3A_169, %dma_wait3A_174] : memref<2x2x80xi32, #tpu.memory_space<vmem>> -> memref<1x1x80xi32, #tpu.memory_space<vmem>>
    %dma_wait3A_176 = tpu.memref_squeeze %dma_wait3A_175 : memref<1x1x80xi32, #tpu.memory_space<vmem>> -> memref<80xi32, #tpu.memory_space<vmem>>
    %dma_wait3A_177 = arith.constant 0 : i32
    %dma_wait3A_178 = arith.constant 0 : i32
    %dma_wait3A_179 = tpu.memref_slice %arg10[%dma_wait3A_177, %dma_wait3A_178] : memref<10000x128xf32, #tpu.memory_space<vmem_shared>> -> memref<10000x128xf32, #tpu.memory_space<vmem_shared>>
    tpu.wait_indirect_dma semaphore(%arg14 : memref<!tpu.dma_semaphore, #tpu.memory_space<semaphore_mem>>) src(%dma_wait3A_173 : memref<80x128xf32, #tpu.memory_space<vmem>>) dst(%dma_wait3A_179 : memref<10000x128xf32, #tpu.memory_space<vmem_shared>>)
    %dma_wait3A_180 = arith.constant 0 : i32
    %dma_wait3A_181 = arith.constant 0 : i32
    %dma_wait3A_182 = arith.constant 0 : i32
    %dma_wait3A_183 = arith.constant 0 : i32
    %dma_wait3A_184 = arith.constant 0 : i32
    %dma_wait3A_185 = tpu.memref_slice %arg9[%dma_wait3A_180, %dma_wait3A_183, %dma_wait3A_184] : memref<2x80x128xf32, #tpu.memory_space<vmem>> -> memref<1x80x128xf32, #tpu.memory_space<vmem>>
    %dma_wait3A_186 = tpu.memref_squeeze %dma_wait3A_185 : memref<1x80x128xf32, #tpu.memory_space<vmem>> -> memref<80x128xf32, #tpu.memory_space<vmem>>
    %dma_wait3A_187 = arith.constant 0 : i32
    %dma_wait3A_188 = tpu.memref_slice %arg8[%dma_wait3A_181, %dma_wait3A_182, %dma_wait3A_187] : memref<2x2x80xi32, #tpu.memory_space<vmem>> -> memref<1x1x80xi32, #tpu.memory_space<vmem>>
    %dma_wait3A_189 = tpu.memref_squeeze %dma_wait3A_188 : memref<1x1x80xi32, #tpu.memory_space<vmem>> -> memref<80xi32, #tpu.memory_space<vmem>>
    %dma_wait3A_190 = arith.constant 0 : i32
    %dma_wait3A_191 = arith.constant 0 : i32
    %dma_wait3A_192 = tpu.memref_slice %arg10[%dma_wait3A_190, %dma_wait3A_191] : memref<10000x128xf32, #tpu.memory_space<vmem_shared>> -> memref<10000x128xf32, #tpu.memory_space<vmem_shared>>
    tpu.wait_indirect_dma semaphore(%arg13 : memref<!tpu.dma_semaphore, #tpu.memory_space<semaphore_mem>>) src(%dma_wait3A_186 : memref<80x128xf32, #tpu.memory_space<vmem>>) dst(%dma_wait3A_192 : memref<10000x128xf32, #tpu.memory_space<vmem_shared>>)
    %barrier3A_193 = arith.constant 0 : index
    tpu.barrier barrier_id(%barrier3A_193)
    "tpu.region"() ({
      %run_scoped3A = tpu.sem_alloc : memref<!tpu.dma_semaphore, #tpu.memory_space<semaphore_mem>>
      %dma_start3A_199 = arith.constant 0 : i32
      %dma_start3A_200 = tpu.memref_slice %arg6[%arg0, %mul3A_2, %dma_start3A_199] : memref<2x10000x128xf32, #tpu.memory_space<hbm>> -> memref<1x624x128xf32, #tpu.memory_space<hbm>>
      %dma_start3A_201 = tpu.memref_squeeze %dma_start3A_200 : memref<1x624x128xf32, #tpu.memory_space<hbm>> -> memref<624x128xf32, #tpu.memory_space<hbm>>
      %dma_start3A_202 = arith.constant 0 : i32
      %dma_start3A_203 = tpu.memref_slice %arg10[%mul3A_2, %dma_start3A_202] : memref<10000x128xf32, #tpu.memory_space<vmem_shared>> -> memref<624x128xf32, #tpu.memory_space<vmem_shared>>
      tpu.enqueue_dma source(%dma_start3A_203 : memref<624x128xf32, #tpu.memory_space<vmem_shared>>) target(%dma_start3A_201 : memref<624x128xf32, #tpu.memory_space<hbm>>) target_semaphore(%run_scoped3A : memref<!tpu.dma_semaphore, #tpu.memory_space<semaphore_mem>>)
      %dma_wait3A_204 = arith.constant 0 : i32
      %dma_wait3A_205 = tpu.memref_slice %arg6[%arg0, %mul3A_2, %dma_wait3A_204] : memref<2x10000x128xf32, #tpu.memory_space<hbm>> -> memref<1x624x128xf32, #tpu.memory_space<hbm>>
      %dma_wait3A_206 = tpu.memref_squeeze %dma_wait3A_205 : memref<1x624x128xf32, #tpu.memory_space<hbm>> -> memref<624x128xf32, #tpu.memory_space<hbm>>
      %dma_wait3A_207 = arith.constant 0 : i32
      %dma_wait3A_208 = tpu.memref_slice %arg10[%mul3A_2, %dma_wait3A_207] : memref<10000x128xf32, #tpu.memory_space<vmem_shared>> -> memref<624x128xf32, #tpu.memory_space<vmem_shared>>
      tpu.wait_dma2 semaphore(%run_scoped3A : memref<!tpu.dma_semaphore, #tpu.memory_space<semaphore_mem>>) src(%dma_wait3A_208 : memref<624x128xf32, #tpu.memory_space<vmem_shared>>) dst(%dma_wait3A_206 : memref<624x128xf32, #tpu.memory_space<hbm>>)
      tpu.yield
    }) : () -> ()
    %eq3A_194 = arith.constant 15 : i32
    %eq3A_195 = arith.cmpi eq, %arg1, %eq3A_194 : i32
    %convert_element_type3A_196 = arith.extui %eq3A_195 : i1 to i32
    %cond3A_197 = arith.constant 0 : i32
    %cond3A_198 = arith.cmpi ne, %convert_element_type3A_196, %cond3A_197 : i32
    scf.if %cond3A_198 {
      "tpu.region"() ({
        %run_scoped3A = tpu.sem_alloc : memref<!tpu.dma_semaphore, #tpu.memory_space<semaphore_mem>>
        %dma_start3A_199 = arith.constant 9984 : i32
        %dma_start3A_200 = arith.constant 0 : i32
        %dma_start3A_201 = tpu.memref_slice %arg6[%arg0, %dma_start3A_199, %dma_start3A_200] : memref<2x10000x128xf32, #tpu.memory_space<hbm>> -> memref<1x16x128xf32, #tpu.memory_space<hbm>>
        %dma_start3A_202 = tpu.memref_squeeze %dma_start3A_201 : memref<1x16x128xf32, #tpu.memory_space<hbm>> -> memref<16x128xf32, #tpu.memory_space<hbm>>
        %dma_start3A_203 = arith.constant 9984 : i32
        %dma_start3A_204 = arith.constant 0 : i32
        %dma_start3A_205 = tpu.memref_slice %arg10[%dma_start3A_203, %dma_start3A_204] : memref<10000x128xf32, #tpu.memory_space<vmem_shared>> -> memref<16x128xf32, #tpu.memory_space<vmem_shared>>
        tpu.enqueue_dma source(%dma_start3A_205 : memref<16x128xf32, #tpu.memory_space<vmem_shared>>) target(%dma_start3A_202 : memref<16x128xf32, #tpu.memory_space<hbm>>) target_semaphore(%run_scoped3A : memref<!tpu.dma_semaphore, #tpu.memory_space<semaphore_mem>>)
        %dma_wait3A_206 = arith.constant 9984 : i32
        %dma_wait3A_207 = arith.constant 0 : i32
        %dma_wait3A_208 = tpu.memref_slice %arg6[%arg0, %dma_wait3A_206, %dma_wait3A_207] : memref<2x10000x128xf32, #tpu.memory_space<hbm>> -> memref<1x16x128xf32, #tpu.memory_space<hbm>>
        %dma_wait3A_209 = tpu.memref_squeeze %dma_wait3A_208 : memref<1x16x128xf32, #tpu.memory_space<hbm>> -> memref<16x128xf32, #tpu.memory_space<hbm>>
        %dma_wait3A_210 = arith.constant 9984 : i32
        %dma_wait3A_211 = arith.constant 0 : i32
        %dma_wait3A_212 = tpu.memref_slice %arg10[%dma_wait3A_210, %dma_wait3A_211] : memref<10000x128xf32, #tpu.memory_space<vmem_shared>> -> memref<16x128xf32, #tpu.memory_space<vmem_shared>>
        tpu.wait_dma2 semaphore(%run_scoped3A : memref<!tpu.dma_semaphore, #tpu.memory_space<semaphore_mem>>) src(%dma_wait3A_212 : memref<16x128xf32, #tpu.memory_space<vmem_shared>>) dst(%dma_wait3A_209 : memref<16x128xf32, #tpu.memory_space<hbm>>)
        tpu.yield
      }) : () -> ()
    } else {
    }
    return
  }
}

#map = affine_map<(d0, d1) -> (0, 0)>
#map1 = affine_map<(d0, d1) -> (0, 0, 0)>
module attributes {stable_mosaic.version = 14 : i64} {
  func.func @_segsum_body(%arg0: i32, %arg1: i32, %arg2: memref<10000x128xf32, #tpu.memory_space<hbm>>, %arg3: memref<32x125x80xi32, #tpu.memory_space<hbm>>, %arg4: memref<32x125x80xi32, #tpu.memory_space<hbm>>, %arg5: memref<10000x128xf32, #tpu.memory_space<hbm>>, %arg6: memref<2x10000x128xf32, #tpu.memory_space<hbm>>, %arg7: memref<2x2x80xi32, #tpu.memory_space<vmem>>, %arg8: memref<2x2x80xi32, #tpu.memory_space<vmem>>, %arg9: memref<2x80x128xf32, #tpu.memory_space<vmem>>, %arg10: memref<10000x128xf32, #tpu.memory_space<vmem_shared>>, %arg11: memref<!tpu.dma_semaphore, #tpu.memory_space<semaphore_mem>>, %arg12: memref<!tpu.dma_semaphore, #tpu.memory_space<semaphore_mem>>, %arg13: memref<!tpu.dma_semaphore, #tpu.memory_space<semaphore_mem>>, %arg14: memref<!tpu.dma_semaphore, #tpu.memory_space<semaphore_mem>>, %arg15: memref<!tpu.dma_semaphore, #tpu.memory_space<semaphore_mem>>) attributes {dimension_semantics = [#tpu.dimension_semantics<core_parallel>, #tpu.dimension_semantics<subcore_parallel>], iteration_bounds = array<i64: 2, 16>, scalar_prefetch = 0 : i64, scratch_operands = 9 : i64, tpu.core_type = #tpu.core_type<sc_vector_subcore>, window_params = [{transform_indices = #map}, {transform_indices = #map1}, {transform_indices = #map1}, {transform_indices = #map}, {transform_indices = #map1}]} {
    %mul3A = arith.constant 2 : i32
    %mul3A_0 = arith.muli %arg1, %mul3A : i32
    %add3A = arith.addi %mul3A_0, %arg0 : i32
    %mul3A_1 = arith.constant 624 : i32
    %mul3A_2 = arith.muli %arg1, %mul3A_1 : i32
    "tpu.region"() ({
      %run_scoped3A = tpu.sem_alloc : memref<!tpu.dma_semaphore, #tpu.memory_space<semaphore_mem>>
      %dma_start3A_199 = arith.constant 0 : i32
      %dma_start3A_200 = tpu.memref_slice %arg10[%mul3A_2, %dma_start3A_199] : memref<10000x128xf32, #tpu.memory_space<vmem_shared>> -> memref<624x128xf32, #tpu.memory_space<vmem_shared>>
      %dma_start3A_201 = arith.constant 0 : i32
      %dma_start3A_202 = tpu.memref_slice %arg5[%mul3A_2, %dma_start3A_201] : memref<10000x128xf32, #tpu.memory_space<hbm>> -> memref<624x128xf32, #tpu.memory_space<hbm>>
      tpu.enqueue_dma source(%dma_start3A_202 : memref<624x128xf32, #tpu.memory_space<hbm>>) target(%dma_start3A_200 : memref<624x128xf32, #tpu.memory_space<vmem_shared>>) target_semaphore(%run_scoped3A : memref<!tpu.dma_semaphore, #tpu.memory_space<semaphore_mem>>)
      %dma_wait3A_203 = arith.constant 0 : i32
      %dma_wait3A_204 = tpu.memref_slice %arg10[%mul3A_2, %dma_wait3A_203] : memref<10000x128xf32, #tpu.memory_space<vmem_shared>> -> memref<624x128xf32, #tpu.memory_space<vmem_shared>>
      %dma_wait3A_205 = arith.constant 0 : i32
      %dma_wait3A_206 = tpu.memref_slice %arg5[%mul3A_2, %dma_wait3A_205] : memref<10000x128xf32, #tpu.memory_space<hbm>> -> memref<624x128xf32, #tpu.memory_space<hbm>>
      tpu.wait_dma2 semaphore(%run_scoped3A : memref<!tpu.dma_semaphore, #tpu.memory_space<semaphore_mem>>) src(%dma_wait3A_206 : memref<624x128xf32, #tpu.memory_space<hbm>>) dst(%dma_wait3A_204 : memref<624x128xf32, #tpu.memory_space<vmem_shared>>)
      tpu.yield
    }) : () -> ()
    %eq3A = arith.constant 15 : i32
    %eq3A_3 = arith.cmpi eq, %arg1, %eq3A : i32
    %convert_element_type3A = arith.extui %eq3A_3 : i1 to i32
    %cond3A = arith.constant 0 : i32
    %cond3A_4 = arith.cmpi ne, %convert_element_type3A, %cond3A : i32
    scf.if %cond3A_4 {
      "tpu.region"() ({
        %run_scoped3A = tpu.sem_alloc : memref<!tpu.dma_semaphore, #tpu.memory_space<semaphore_mem>>
        %dma_start3A_199 = arith.constant 9984 : i32
        %dma_start3A_200 = arith.constant 0 : i32
        %dma_start3A_201 = tpu.memref_slice %arg10[%dma_start3A_199, %dma_start3A_200] : memref<10000x128xf32, #tpu.memory_space<vmem_shared>> -> memref<16x128xf32, #tpu.memory_space<vmem_shared>>
        %dma_start3A_202 = arith.constant 9984 : i32
        %dma_start3A_203 = arith.constant 0 : i32
        %dma_start3A_204 = tpu.memref_slice %arg5[%dma_start3A_202, %dma_start3A_203] : memref<10000x128xf32, #tpu.memory_space<hbm>> -> memref<16x128xf32, #tpu.memory_space<hbm>>
        tpu.enqueue_dma source(%dma_start3A_204 : memref<16x128xf32, #tpu.memory_space<hbm>>) target(%dma_start3A_201 : memref<16x128xf32, #tpu.memory_space<vmem_shared>>) target_semaphore(%run_scoped3A : memref<!tpu.dma_semaphore, #tpu.memory_space<semaphore_mem>>)
        %dma_wait3A_205 = arith.constant 9984 : i32
        %dma_wait3A_206 = arith.constant 0 : i32
        %dma_wait3A_207 = tpu.memref_slice %arg10[%dma_wait3A_205, %dma_wait3A_206] : memref<10000x128xf32, #tpu.memory_space<vmem_shared>> -> memref<16x128xf32, #tpu.memory_space<vmem_shared>>
        %dma_wait3A_208 = arith.constant 9984 : i32
        %dma_wait3A_209 = arith.constant 0 : i32
        %dma_wait3A_210 = tpu.memref_slice %arg5[%dma_wait3A_208, %dma_wait3A_209] : memref<10000x128xf32, #tpu.memory_space<hbm>> -> memref<16x128xf32, #tpu.memory_space<hbm>>
        tpu.wait_dma2 semaphore(%run_scoped3A : memref<!tpu.dma_semaphore, #tpu.memory_space<semaphore_mem>>) src(%dma_wait3A_210 : memref<16x128xf32, #tpu.memory_space<hbm>>) dst(%dma_wait3A_207 : memref<16x128xf32, #tpu.memory_space<vmem_shared>>)
        tpu.yield
      }) : () -> ()
    } else {
    }
    %barrier3A = arith.constant 0 : index
    tpu.barrier barrier_id(%barrier3A)
    %dma_start3A = arith.constant 0 : i32
    %dma_start3A_5 = arith.constant 0 : i32
    %dma_start3A_6 = arith.constant 0 : i32
    %dma_start3A_7 = arith.constant 0 : i32
    %dma_start3A_8 = tpu.memref_slice %arg7[%dma_start3A_5, %dma_start3A_6, %dma_start3A_7] : memref<2x2x80xi32, #tpu.memory_space<vmem>> -> memref<1x1x80xi32, #tpu.memory_space<vmem>>
    %dma_start3A_9 = tpu.memref_squeeze %dma_start3A_8 : memref<1x1x80xi32, #tpu.memory_space<vmem>> -> memref<80xi32, #tpu.memory_space<vmem>>
    %dma_start3A_10 = arith.constant 0 : i32
    %dma_start3A_11 = tpu.memref_slice %arg3[%add3A, %dma_start3A, %dma_start3A_10] : memref<32x125x80xi32, #tpu.memory_space<hbm>> -> memref<1x1x80xi32, #tpu.memory_space<hbm>>
    %dma_start3A_12 = tpu.memref_squeeze %dma_start3A_11 : memref<1x1x80xi32, #tpu.memory_space<hbm>> -> memref<80xi32, #tpu.memory_space<hbm>>
    %dma_start3A_13 = arith.constant 0 : i32
    %dma_start3A_14 = tpu.memref_slice %arg7[%dma_start3A_5, %dma_start3A_6, %dma_start3A_13] : memref<2x2x80xi32, #tpu.memory_space<vmem>> -> memref<1x1x80xi32, #tpu.memory_space<vmem>>
    %dma_start3A_15 = tpu.memref_squeeze %dma_start3A_14 : memref<1x1x80xi32, #tpu.memory_space<vmem>> -> memref<80xi32, #tpu.memory_space<vmem>>
    %dma_start3A_16 = arith.constant 0 : i32
    %dma_start3A_17 = tpu.memref_slice %arg3[%add3A, %dma_start3A, %dma_start3A_16] : memref<32x125x80xi32, #tpu.memory_space<hbm>> -> memref<1x1x80xi32, #tpu.memory_space<hbm>>
    %dma_start3A_18 = tpu.memref_squeeze %dma_start3A_17 : memref<1x1x80xi32, #tpu.memory_space<hbm>> -> memref<80xi32, #tpu.memory_space<hbm>>
    tpu.enqueue_dma source(%dma_start3A_18 : memref<80xi32, #tpu.memory_space<hbm>>) target(%dma_start3A_15 : memref<80xi32, #tpu.memory_space<vmem>>) target_semaphore(%arg15 : memref<!tpu.dma_semaphore, #tpu.memory_space<semaphore_mem>>)
    %dma_start3A_19 = arith.constant 0 : i32
    %dma_start3A_20 = arith.constant 0 : i32
    %dma_start3A_21 = arith.constant 0 : i32
    %dma_start3A_22 = arith.constant 0 : i32
    %dma_start3A_23 = tpu.memref_slice %arg8[%dma_start3A_20, %dma_start3A_21, %dma_start3A_22] : memref<2x2x80xi32, #tpu.memory_space<vmem>> -> memref<1x1x80xi32, #tpu.memory_space<vmem>>
    %dma_start3A_24 = tpu.memref_squeeze %dma_start3A_23 : memref<1x1x80xi32, #tpu.memory_space<vmem>> -> memref<80xi32, #tpu.memory_space<vmem>>
    %dma_start3A_25 = arith.constant 0 : i32
    %dma_start3A_26 = tpu.memref_slice %arg4[%add3A, %dma_start3A_19, %dma_start3A_25] : memref<32x125x80xi32, #tpu.memory_space<hbm>> -> memref<1x1x80xi32, #tpu.memory_space<hbm>>
    %dma_start3A_27 = tpu.memref_squeeze %dma_start3A_26 : memref<1x1x80xi32, #tpu.memory_space<hbm>> -> memref<80xi32, #tpu.memory_space<hbm>>
    %dma_start3A_28 = arith.constant 0 : i32
    %dma_start3A_29 = tpu.memref_slice %arg8[%dma_start3A_20, %dma_start3A_21, %dma_start3A_28] : memref<2x2x80xi32, #tpu.memory_space<vmem>> -> memref<1x1x80xi32, #tpu.memory_space<vmem>>
    %dma_start3A_30 = tpu.memref_squeeze %dma_start3A_29 : memref<1x1x80xi32, #tpu.memory_space<vmem>> -> memref<80xi32, #tpu.memory_space<vmem>>
    %dma_start3A_31 = arith.constant 0 : i32
    %dma_start3A_32 = tpu.memref_slice %arg4[%add3A, %dma_start3A_19, %dma_start3A_31] : memref<32x125x80xi32, #tpu.memory_space<hbm>> -> memref<1x1x80xi32, #tpu.memory_space<hbm>>
    %dma_start3A_33 = tpu.memref_squeeze %dma_start3A_32 : memref<1x1x80xi32, #tpu.memory_space<hbm>> -> memref<80xi32, #tpu.memory_space<hbm>>
    tpu.enqueue_dma source(%dma_start3A_33 : memref<80xi32, #tpu.memory_space<hbm>>) target(%dma_start3A_30 : memref<80xi32, #tpu.memory_space<vmem>>) target_semaphore(%arg15 : memref<!tpu.dma_semaphore, #tpu.memory_space<semaphore_mem>>)
    %dma_start3A_34 = arith.constant 1 : i32
    %dma_start3A_35 = arith.constant 0 : i32
    %dma_start3A_36 = arith.constant 1 : i32
    %dma_start3A_37 = arith.constant 0 : i32
    %dma_start3A_38 = tpu.memref_slice %arg7[%dma_start3A_35, %dma_start3A_36, %dma_start3A_37] : memref<2x2x80xi32, #tpu.memory_space<vmem>> -> memref<1x1x80xi32, #tpu.memory_space<vmem>>
    %dma_start3A_39 = tpu.memref_squeeze %dma_start3A_38 : memref<1x1x80xi32, #tpu.memory_space<vmem>> -> memref<80xi32, #tpu.memory_space<vmem>>
    %dma_start3A_40 = arith.constant 0 : i32
    %dma_start3A_41 = tpu.memref_slice %arg3[%add3A, %dma_start3A_34, %dma_start3A_40] : memref<32x125x80xi32, #tpu.memory_space<hbm>> -> memref<1x1x80xi32, #tpu.memory_space<hbm>>
    %dma_start3A_42 = tpu.memref_squeeze %dma_start3A_41 : memref<1x1x80xi32, #tpu.memory_space<hbm>> -> memref<80xi32, #tpu.memory_space<hbm>>
    %dma_start3A_43 = arith.constant 0 : i32
    %dma_start3A_44 = tpu.memref_slice %arg7[%dma_start3A_35, %dma_start3A_36, %dma_start3A_43] : memref<2x2x80xi32, #tpu.memory_space<vmem>> -> memref<1x1x80xi32, #tpu.memory_space<vmem>>
    %dma_start3A_45 = tpu.memref_squeeze %dma_start3A_44 : memref<1x1x80xi32, #tpu.memory_space<vmem>> -> memref<80xi32, #tpu.memory_space<vmem>>
    %dma_start3A_46 = arith.constant 0 : i32
    %dma_start3A_47 = tpu.memref_slice %arg3[%add3A, %dma_start3A_34, %dma_start3A_46] : memref<32x125x80xi32, #tpu.memory_space<hbm>> -> memref<1x1x80xi32, #tpu.memory_space<hbm>>
    %dma_start3A_48 = tpu.memref_squeeze %dma_start3A_47 : memref<1x1x80xi32, #tpu.memory_space<hbm>> -> memref<80xi32, #tpu.memory_space<hbm>>
    tpu.enqueue_dma source(%dma_start3A_48 : memref<80xi32, #tpu.memory_space<hbm>>) target(%dma_start3A_45 : memref<80xi32, #tpu.memory_space<vmem>>) target_semaphore(%arg15 : memref<!tpu.dma_semaphore, #tpu.memory_space<semaphore_mem>>)
    %dma_start3A_49 = arith.constant 1 : i32
    %dma_start3A_50 = arith.constant 0 : i32
    %dma_start3A_51 = arith.constant 1 : i32
    %dma_start3A_52 = arith.constant 0 : i32
    %dma_start3A_53 = tpu.memref_slice %arg8[%dma_start3A_50, %dma_start3A_51, %dma_start3A_52] : memref<2x2x80xi32, #tpu.memory_space<vmem>> -> memref<1x1x80xi32, #tpu.memory_space<vmem>>
    %dma_start3A_54 = tpu.memref_squeeze %dma_start3A_53 : memref<1x1x80xi32, #tpu.memory_space<vmem>> -> memref<80xi32, #tpu.memory_space<vmem>>
    %dma_start3A_55 = arith.constant 0 : i32
    %dma_start3A_56 = tpu.memref_slice %arg4[%add3A, %dma_start3A_49, %dma_start3A_55] : memref<32x125x80xi32, #tpu.memory_space<hbm>> -> memref<1x1x80xi32, #tpu.memory_space<hbm>>
    %dma_start3A_57 = tpu.memref_squeeze %dma_start3A_56 : memref<1x1x80xi32, #tpu.memory_space<hbm>> -> memref<80xi32, #tpu.memory_space<hbm>>
    %dma_start3A_58 = arith.constant 0 : i32
    %dma_start3A_59 = tpu.memref_slice %arg8[%dma_start3A_50, %dma_start3A_51, %dma_start3A_58] : memref<2x2x80xi32, #tpu.memory_space<vmem>> -> memref<1x1x80xi32, #tpu.memory_space<vmem>>
    %dma_start3A_60 = tpu.memref_squeeze %dma_start3A_59 : memref<1x1x80xi32, #tpu.memory_space<vmem>> -> memref<80xi32, #tpu.memory_space<vmem>>
    %dma_start3A_61 = arith.constant 0 : i32
    %dma_start3A_62 = tpu.memref_slice %arg4[%add3A, %dma_start3A_49, %dma_start3A_61] : memref<32x125x80xi32, #tpu.memory_space<hbm>> -> memref<1x1x80xi32, #tpu.memory_space<hbm>>
    %dma_start3A_63 = tpu.memref_squeeze %dma_start3A_62 : memref<1x1x80xi32, #tpu.memory_space<hbm>> -> memref<80xi32, #tpu.memory_space<hbm>>
    tpu.enqueue_dma source(%dma_start3A_63 : memref<80xi32, #tpu.memory_space<hbm>>) target(%dma_start3A_60 : memref<80xi32, #tpu.memory_space<vmem>>) target_semaphore(%arg15 : memref<!tpu.dma_semaphore, #tpu.memory_space<semaphore_mem>>)
    %dma_wait3A = arith.constant 0 : i32
    %dma_wait3A_64 = arith.constant 0 : i32
    %dma_wait3A_65 = arith.constant 0 : i32
    %dma_wait3A_66 = arith.constant 0 : i32
    %dma_wait3A_67 = tpu.memref_slice %arg7[%dma_wait3A_64, %dma_wait3A_65, %dma_wait3A_66] : memref<2x2x80xi32, #tpu.memory_space<vmem>> -> memref<1x1x80xi32, #tpu.memory_space<vmem>>
    %dma_wait3A_68 = tpu.memref_squeeze %dma_wait3A_67 : memref<1x1x80xi32, #tpu.memory_space<vmem>> -> memref<80xi32, #tpu.memory_space<vmem>>
    %dma_wait3A_69 = arith.constant 0 : i32
    %dma_wait3A_70 = tpu.memref_slice %arg3[%add3A, %dma_wait3A, %dma_wait3A_69] : memref<32x125x80xi32, #tpu.memory_space<hbm>> -> memref<1x1x80xi32, #tpu.memory_space<hbm>>
    %dma_wait3A_71 = tpu.memref_squeeze %dma_wait3A_70 : memref<1x1x80xi32, #tpu.memory_space<hbm>> -> memref<80xi32, #tpu.memory_space<hbm>>
    %dma_wait3A_72 = arith.constant 0 : i32
    %dma_wait3A_73 = tpu.memref_slice %arg7[%dma_wait3A_64, %dma_wait3A_65, %dma_wait3A_72] : memref<2x2x80xi32, #tpu.memory_space<vmem>> -> memref<1x1x80xi32, #tpu.memory_space<vmem>>
    %dma_wait3A_74 = tpu.memref_squeeze %dma_wait3A_73 : memref<1x1x80xi32, #tpu.memory_space<vmem>> -> memref<80xi32, #tpu.memory_space<vmem>>
    %dma_wait3A_75 = arith.constant 0 : i32
    %dma_wait3A_76 = tpu.memref_slice %arg3[%add3A, %dma_wait3A, %dma_wait3A_75] : memref<32x125x80xi32, #tpu.memory_space<hbm>> -> memref<1x1x80xi32, #tpu.memory_space<hbm>>
    %dma_wait3A_77 = tpu.memref_squeeze %dma_wait3A_76 : memref<1x1x80xi32, #tpu.memory_space<hbm>> -> memref<80xi32, #tpu.memory_space<hbm>>
    tpu.wait_dma2 semaphore(%arg15 : memref<!tpu.dma_semaphore, #tpu.memory_space<semaphore_mem>>) src(%dma_wait3A_77 : memref<80xi32, #tpu.memory_space<hbm>>) dst(%dma_wait3A_74 : memref<80xi32, #tpu.memory_space<vmem>>)
    %dma_wait3A_78 = arith.constant 0 : i32
    %dma_wait3A_79 = arith.constant 0 : i32
    %dma_wait3A_80 = arith.constant 0 : i32
    %dma_wait3A_81 = arith.constant 0 : i32
    %dma_wait3A_82 = tpu.memref_slice %arg8[%dma_wait3A_79, %dma_wait3A_80, %dma_wait3A_81] : memref<2x2x80xi32, #tpu.memory_space<vmem>> -> memref<1x1x80xi32, #tpu.memory_space<vmem>>
    %dma_wait3A_83 = tpu.memref_squeeze %dma_wait3A_82 : memref<1x1x80xi32, #tpu.memory_space<vmem>> -> memref<80xi32, #tpu.memory_space<vmem>>
    %dma_wait3A_84 = arith.constant 0 : i32
    %dma_wait3A_85 = tpu.memref_slice %arg4[%add3A, %dma_wait3A_78, %dma_wait3A_84] : memref<32x125x80xi32, #tpu.memory_space<hbm>> -> memref<1x1x80xi32, #tpu.memory_space<hbm>>
    %dma_wait3A_86 = tpu.memref_squeeze %dma_wait3A_85 : memref<1x1x80xi32, #tpu.memory_space<hbm>> -> memref<80xi32, #tpu.memory_space<hbm>>
    %dma_wait3A_87 = arith.constant 0 : i32
    %dma_wait3A_88 = tpu.memref_slice %arg8[%dma_wait3A_79, %dma_wait3A_80, %dma_wait3A_87] : memref<2x2x80xi32, #tpu.memory_space<vmem>> -> memref<1x1x80xi32, #tpu.memory_space<vmem>>
    %dma_wait3A_89 = tpu.memref_squeeze %dma_wait3A_88 : memref<1x1x80xi32, #tpu.memory_space<vmem>> -> memref<80xi32, #tpu.memory_space<vmem>>
    %dma_wait3A_90 = arith.constant 0 : i32
    %dma_wait3A_91 = tpu.memref_slice %arg4[%add3A, %dma_wait3A_78, %dma_wait3A_90] : memref<32x125x80xi32, #tpu.memory_space<hbm>> -> memref<1x1x80xi32, #tpu.memory_space<hbm>>
    %dma_wait3A_92 = tpu.memref_squeeze %dma_wait3A_91 : memref<1x1x80xi32, #tpu.memory_space<hbm>> -> memref<80xi32, #tpu.memory_space<hbm>>
    tpu.wait_dma2 semaphore(%arg15 : memref<!tpu.dma_semaphore, #tpu.memory_space<semaphore_mem>>) src(%dma_wait3A_92 : memref<80xi32, #tpu.memory_space<hbm>>) dst(%dma_wait3A_89 : memref<80xi32, #tpu.memory_space<vmem>>)
    %dma_wait3A_93 = arith.constant 1 : i32
    %dma_wait3A_94 = arith.constant 0 : i32
    %dma_wait3A_95 = arith.constant 1 : i32
    %dma_wait3A_96 = arith.constant 0 : i32
    %dma_wait3A_97 = tpu.memref_slice %arg7[%dma_wait3A_94, %dma_wait3A_95, %dma_wait3A_96] : memref<2x2x80xi32, #tpu.memory_space<vmem>> -> memref<1x1x80xi32, #tpu.memory_space<vmem>>
    %dma_wait3A_98 = tpu.memref_squeeze %dma_wait3A_97 : memref<1x1x80xi32, #tpu.memory_space<vmem>> -> memref<80xi32, #tpu.memory_space<vmem>>
    %dma_wait3A_99 = arith.constant 0 : i32
    %dma_wait3A_100 = tpu.memref_slice %arg3[%add3A, %dma_wait3A_93, %dma_wait3A_99] : memref<32x125x80xi32, #tpu.memory_space<hbm>> -> memref<1x1x80xi32, #tpu.memory_space<hbm>>
    %dma_wait3A_101 = tpu.memref_squeeze %dma_wait3A_100 : memref<1x1x80xi32, #tpu.memory_space<hbm>> -> memref<80xi32, #tpu.memory_space<hbm>>
    %dma_wait3A_102 = arith.constant 0 : i32
    %dma_wait3A_103 = tpu.memref_slice %arg7[%dma_wait3A_94, %dma_wait3A_95, %dma_wait3A_102] : memref<2x2x80xi32, #tpu.memory_space<vmem>> -> memref<1x1x80xi32, #tpu.memory_space<vmem>>
    %dma_wait3A_104 = tpu.memref_squeeze %dma_wait3A_103 : memref<1x1x80xi32, #tpu.memory_space<vmem>> -> memref<80xi32, #tpu.memory_space<vmem>>
    %dma_wait3A_105 = arith.constant 0 : i32
    %dma_wait3A_106 = tpu.memref_slice %arg3[%add3A, %dma_wait3A_93, %dma_wait3A_105] : memref<32x125x80xi32, #tpu.memory_space<hbm>> -> memref<1x1x80xi32, #tpu.memory_space<hbm>>
    %dma_wait3A_107 = tpu.memref_squeeze %dma_wait3A_106 : memref<1x1x80xi32, #tpu.memory_space<hbm>> -> memref<80xi32, #tpu.memory_space<hbm>>
    tpu.wait_dma2 semaphore(%arg15 : memref<!tpu.dma_semaphore, #tpu.memory_space<semaphore_mem>>) src(%dma_wait3A_107 : memref<80xi32, #tpu.memory_space<hbm>>) dst(%dma_wait3A_104 : memref<80xi32, #tpu.memory_space<vmem>>)
    %dma_wait3A_108 = arith.constant 1 : i32
    %dma_wait3A_109 = arith.constant 0 : i32
    %dma_wait3A_110 = arith.constant 1 : i32
    %dma_wait3A_111 = arith.constant 0 : i32
    %dma_wait3A_112 = tpu.memref_slice %arg8[%dma_wait3A_109, %dma_wait3A_110, %dma_wait3A_111] : memref<2x2x80xi32, #tpu.memory_space<vmem>> -> memref<1x1x80xi32, #tpu.memory_space<vmem>>
    %dma_wait3A_113 = tpu.memref_squeeze %dma_wait3A_112 : memref<1x1x80xi32, #tpu.memory_space<vmem>> -> memref<80xi32, #tpu.memory_space<vmem>>
    %dma_wait3A_114 = arith.constant 0 : i32
    %dma_wait3A_115 = tpu.memref_slice %arg4[%add3A, %dma_wait3A_108, %dma_wait3A_114] : memref<32x125x80xi32, #tpu.memory_space<hbm>> -> memref<1x1x80xi32, #tpu.memory_space<hbm>>
    %dma_wait3A_116 = tpu.memref_squeeze %dma_wait3A_115 : memref<1x1x80xi32, #tpu.memory_space<hbm>> -> memref<80xi32, #tpu.memory_space<hbm>>
    %dma_wait3A_117 = arith.constant 0 : i32
    %dma_wait3A_118 = tpu.memref_slice %arg8[%dma_wait3A_109, %dma_wait3A_110, %dma_wait3A_117] : memref<2x2x80xi32, #tpu.memory_space<vmem>> -> memref<1x1x80xi32, #tpu.memory_space<vmem>>
    %dma_wait3A_119 = tpu.memref_squeeze %dma_wait3A_118 : memref<1x1x80xi32, #tpu.memory_space<vmem>> -> memref<80xi32, #tpu.memory_space<vmem>>
    %dma_wait3A_120 = arith.constant 0 : i32
    %dma_wait3A_121 = tpu.memref_slice %arg4[%add3A, %dma_wait3A_108, %dma_wait3A_120] : memref<32x125x80xi32, #tpu.memory_space<hbm>> -> memref<1x1x80xi32, #tpu.memory_space<hbm>>
    %dma_wait3A_122 = tpu.memref_squeeze %dma_wait3A_121 : memref<1x1x80xi32, #tpu.memory_space<hbm>> -> memref<80xi32, #tpu.memory_space<hbm>>
    tpu.wait_dma2 semaphore(%arg15 : memref<!tpu.dma_semaphore, #tpu.memory_space<semaphore_mem>>) src(%dma_wait3A_122 : memref<80xi32, #tpu.memory_space<hbm>>) dst(%dma_wait3A_119 : memref<80xi32, #tpu.memory_space<vmem>>)
    %dma_start3A_123 = arith.constant 0 : i32
    %dma_start3A_124 = arith.constant 0 : i32
    %dma_start3A_125 = arith.constant 0 : i32
    %dma_start3A_126 = arith.constant 0 : i32
    %dma_start3A_127 = arith.constant 0 : i32
    %dma_start3A_128 = tpu.memref_slice %arg9[%dma_start3A_125, %dma_start3A_126, %dma_start3A_127] : memref<2x80x128xf32, #tpu.memory_space<vmem>> -> memref<1x80x128xf32, #tpu.memory_space<vmem>>
    %dma_start3A_129 = tpu.memref_squeeze %dma_start3A_128 : memref<1x80x128xf32, #tpu.memory_space<vmem>> -> memref<80x128xf32, #tpu.memory_space<vmem>>
    %dma_start3A_130 = arith.constant 0 : i32
    %dma_start3A_131 = tpu.memref_slice %arg7[%dma_start3A_123, %dma_start3A_124, %dma_start3A_130] : memref<2x2x80xi32, #tpu.memory_space<vmem>> -> memref<1x1x80xi32, #tpu.memory_space<vmem>>
    %dma_start3A_132 = tpu.memref_squeeze %dma_start3A_131 : memref<1x1x80xi32, #tpu.memory_space<vmem>> -> memref<80xi32, #tpu.memory_space<vmem>>
    %dma_start3A_133 = arith.constant 0 : i32
    %dma_start3A_134 = arith.constant 0 : i32
    %dma_start3A_135 = tpu.memref_slice %arg2[%dma_start3A_133, %dma_start3A_134] : memref<10000x128xf32, #tpu.memory_space<hbm>> -> memref<10000x128xf32, #tpu.memory_space<hbm>>
    tpu.enqueue_indirect_dma source(%dma_start3A_135 : memref<10000x128xf32, #tpu.memory_space<hbm>>) target(%dma_start3A_129 : memref<80x128xf32, #tpu.memory_space<vmem>>) offsets(%dma_start3A_132 : memref<80xi32, #tpu.memory_space<vmem>>) semaphore(%arg11 : memref<!tpu.dma_semaphore, #tpu.memory_space<semaphore_mem>>)
    %scan3A = arith.constant 0 : i32
    %scan3A_136 = arith.constant 0 : i32
    %scan3A_137 = arith.constant 62 : i32
    %scan3A_138 = arith.addi %scan3A_136, %scan3A_137 : i32
    %scan3A_139 = arith.constant 1 : i32
    scf.for %scan3A_199 = %scan3A_136 to %scan3A_138 step %scan3A_139  : i32 {
      %mul3A_200 = arith.constant 2 : i32
      %mul3A_201 = arith.muli %mul3A_200, %scan3A_199 : i32
      %rem3A = arith.constant 2 : i32
      %rem3A_202 = arith.remsi %scan3A_199, %rem3A : i32
      %sub3A = arith.constant 1 : i32
      %sub3A_203 = arith.subi %sub3A, %rem3A_202 : i32
      %add3A_204 = arith.constant 2 : i32
      %add3A_205 = arith.addi %mul3A_201, %add3A_204 : i32
      %dma_start3A_206 = arith.constant 0 : i32
      %dma_start3A_207 = arith.constant 0 : i32
      %dma_start3A_208 = tpu.memref_slice %arg7[%sub3A_203, %dma_start3A_206, %dma_start3A_207] : memref<2x2x80xi32, #tpu.memory_space<vmem>> -> memref<1x1x80xi32, #tpu.memory_space<vmem>>
      %dma_start3A_209 = tpu.memref_squeeze %dma_start3A_208 : memref<1x1x80xi32, #tpu.memory_space<vmem>> -> memref<80xi32, #tpu.memory_space<vmem>>
      %dma_start3A_210 = arith.constant 0 : i32
      %dma_start3A_211 = tpu.memref_slice %arg3[%add3A, %add3A_205, %dma_start3A_210] : memref<32x125x80xi32, #tpu.memory_space<hbm>> -> memref<1x1x80xi32, #tpu.memory_space<hbm>>
      %dma_start3A_212 = tpu.memref_squeeze %dma_start3A_211 : memref<1x1x80xi32, #tpu.memory_space<hbm>> -> memref<80xi32, #tpu.memory_space<hbm>>
      %dma_start3A_213 = arith.constant 0 : i32
      %dma_start3A_214 = tpu.memref_slice %arg7[%sub3A_203, %dma_start3A_206, %dma_start3A_213] : memref<2x2x80xi32, #tpu.memory_space<vmem>> -> memref<1x1x80xi32, #tpu.memory_space<vmem>>
      %dma_start3A_215 = tpu.memref_squeeze %dma_start3A_214 : memref<1x1x80xi32, #tpu.memory_space<vmem>> -> memref<80xi32, #tpu.memory_space<vmem>>
      %dma_start3A_216 = arith.constant 0 : i32
      %dma_start3A_217 = tpu.memref_slice %arg3[%add3A, %add3A_205, %dma_start3A_216] : memref<32x125x80xi32, #tpu.memory_space<hbm>> -> memref<1x1x80xi32, #tpu.memory_space<hbm>>
      %dma_start3A_218 = tpu.memref_squeeze %dma_start3A_217 : memref<1x1x80xi32, #tpu.memory_space<hbm>> -> memref<80xi32, #tpu.memory_space<hbm>>
      tpu.enqueue_dma source(%dma_start3A_218 : memref<80xi32, #tpu.memory_space<hbm>>) target(%dma_start3A_215 : memref<80xi32, #tpu.memory_space<vmem>>) target_semaphore(%arg15 : memref<!tpu.dma_semaphore, #tpu.memory_space<semaphore_mem>>)
      %dma_start3A_219 = arith.constant 0 : i32
      %dma_start3A_220 = arith.constant 0 : i32
      %dma_start3A_221 = tpu.memref_slice %arg8[%sub3A_203, %dma_start3A_219, %dma_start3A_220] : memref<2x2x80xi32, #tpu.memory_space<vmem>> -> memref<1x1x80xi32, #tpu.memory_space<vmem>>
      %dma_start3A_222 = tpu.memref_squeeze %dma_start3A_221 : memref<1x1x80xi32, #tpu.memory_space<vmem>> -> memref<80xi32, #tpu.memory_space<vmem>>
      %dma_start3A_223 = arith.constant 0 : i32
      %dma_start3A_224 = tpu.memref_slice %arg4[%add3A, %add3A_205, %dma_start3A_223] : memref<32x125x80xi32, #tpu.memory_space<hbm>> -> memref<1x1x80xi32, #tpu.memory_space<hbm>>
      %dma_start3A_225 = tpu.memref_squeeze %dma_start3A_224 : memref<1x1x80xi32, #tpu.memory_space<hbm>> -> memref<80xi32, #tpu.memory_space<hbm>>
      %dma_start3A_226 = arith.constant 0 : i32
      %dma_start3A_227 = tpu.memref_slice %arg8[%sub3A_203, %dma_start3A_219, %dma_start3A_226] : memref<2x2x80xi32, #tpu.memory_space<vmem>> -> memref<1x1x80xi32, #tpu.memory_space<vmem>>
      %dma_start3A_228 = tpu.memref_squeeze %dma_start3A_227 : memref<1x1x80xi32, #tpu.memory_space<vmem>> -> memref<80xi32, #tpu.memory_space<vmem>>
      %dma_start3A_229 = arith.constant 0 : i32
      %dma_start3A_230 = tpu.memref_slice %arg4[%add3A, %add3A_205, %dma_start3A_229] : memref<32x125x80xi32, #tpu.memory_space<hbm>> -> memref<1x1x80xi32, #tpu.memory_space<hbm>>
      %dma_start3A_231 = tpu.memref_squeeze %dma_start3A_230 : memref<1x1x80xi32, #tpu.memory_space<hbm>> -> memref<80xi32, #tpu.memory_space<hbm>>
      tpu.enqueue_dma source(%dma_start3A_231 : memref<80xi32, #tpu.memory_space<hbm>>) target(%dma_start3A_228 : memref<80xi32, #tpu.memory_space<vmem>>) target_semaphore(%arg15 : memref<!tpu.dma_semaphore, #tpu.memory_space<semaphore_mem>>)
      %lt3A = arith.constant 61 : i32
      %lt3A_232 = arith.cmpi slt, %scan3A_199, %lt3A : i32
      %convert_element_type3A_233 = arith.extui %lt3A_232 : i1 to i32
      %cond3A_234 = arith.constant 0 : i32
      %cond3A_235 = arith.cmpi ne, %convert_element_type3A_233, %cond3A_234 : i32
      scf.if %cond3A_235 {
        %add3A_357 = arith.constant 3 : i32
        %add3A_358 = arith.addi %mul3A_201, %add3A_357 : i32
        %dma_start3A_359 = arith.constant 1 : i32
        %dma_start3A_360 = arith.constant 0 : i32
        %dma_start3A_361 = tpu.memref_slice %arg7[%sub3A_203, %dma_start3A_359, %dma_start3A_360] : memref<2x2x80xi32, #tpu.memory_space<vmem>> -> memref<1x1x80xi32, #tpu.memory_space<vmem>>
        %dma_start3A_362 = tpu.memref_squeeze %dma_start3A_361 : memref<1x1x80xi32, #tpu.memory_space<vmem>> -> memref<80xi32, #tpu.memory_space<vmem>>
        %dma_start3A_363 = arith.constant 0 : i32
        %dma_start3A_364 = tpu.memref_slice %arg3[%add3A, %add3A_358, %dma_start3A_363] : memref<32x125x80xi32, #tpu.memory_space<hbm>> -> memref<1x1x80xi32, #tpu.memory_space<hbm>>
        %dma_start3A_365 = tpu.memref_squeeze %dma_start3A_364 : memref<1x1x80xi32, #tpu.memory_space<hbm>> -> memref<80xi32, #tpu.memory_space<hbm>>
        %dma_start3A_366 = arith.constant 0 : i32
        %dma_start3A_367 = tpu.memref_slice %arg7[%sub3A_203, %dma_start3A_359, %dma_start3A_366] : memref<2x2x80xi32, #tpu.memory_space<vmem>> -> memref<1x1x80xi32, #tpu.memory_space<vmem>>
        %dma_start3A_368 = tpu.memref_squeeze %dma_start3A_367 : memref<1x1x80xi32, #tpu.memory_space<vmem>> -> memref<80xi32, #tpu.memory_space<vmem>>
        %dma_start3A_369 = arith.constant 0 : i32
        %dma_start3A_370 = tpu.memref_slice %arg3[%add3A, %add3A_358, %dma_start3A_369] : memref<32x125x80xi32, #tpu.memory_space<hbm>> -> memref<1x1x80xi32, #tpu.memory_space<hbm>>
        %dma_start3A_371 = tpu.memref_squeeze %dma_start3A_370 : memref<1x1x80xi32, #tpu.memory_space<hbm>> -> memref<80xi32, #tpu.memory_space<hbm>>
        tpu.enqueue_dma source(%dma_start3A_371 : memref<80xi32, #tpu.memory_space<hbm>>) target(%dma_start3A_368 : memref<80xi32, #tpu.memory_space<vmem>>) target_semaphore(%arg15 : memref<!tpu.dma_semaphore, #tpu.memory_space<semaphore_mem>>)
        %dma_start3A_372 = arith.constant 1 : i32
        %dma_start3A_373 = arith.constant 0 : i32
        %dma_start3A_374 = tpu.memref_slice %arg8[%sub3A_203, %dma_start3A_372, %dma_start3A_373] : memref<2x2x80xi32, #tpu.memory_space<vmem>> -> memref<1x1x80xi32, #tpu.memory_space<vmem>>
        %dma_start3A_375 = tpu.memref_squeeze %dma_start3A_374 : memref<1x1x80xi32, #tpu.memory_space<vmem>> -> memref<80xi32, #tpu.memory_space<vmem>>
        %dma_start3A_376 = arith.constant 0 : i32
        %dma_start3A_377 = tpu.memref_slice %arg4[%add3A, %add3A_358, %dma_start3A_376] : memref<32x125x80xi32, #tpu.memory_space<hbm>> -> memref<1x1x80xi32, #tpu.memory_space<hbm>>
        %dma_start3A_378 = tpu.memref_squeeze %dma_start3A_377 : memref<1x1x80xi32, #tpu.memory_space<hbm>> -> memref<80xi32, #tpu.memory_space<hbm>>
        %dma_start3A_379 = arith.constant 0 : i32
        %dma_start3A_380 = tpu.memref_slice %arg8[%sub3A_203, %dma_start3A_372, %dma_start3A_379] : memref<2x2x80xi32, #tpu.memory_space<vmem>> -> memref<1x1x80xi32, #tpu.memory_space<vmem>>
        %dma_start3A_381 = tpu.memref_squeeze %dma_start3A_380 : memref<1x1x80xi32, #tpu.memory_space<vmem>> -> memref<80xi32, #tpu.memory_space<vmem>>
        %dma_start3A_382 = arith.constant 0 : i32
        %dma_start3A_383 = tpu.memref_slice %arg4[%add3A, %add3A_358, %dma_start3A_382] : memref<32x125x80xi32, #tpu.memory_space<hbm>> -> memref<1x1x80xi32, #tpu.memory_space<hbm>>
        %dma_start3A_384 = tpu.memref_squeeze %dma_start3A_383 : memref<1x1x80xi32, #tpu.memory_space<hbm>> -> memref<80xi32, #tpu.memory_space<hbm>>
        tpu.enqueue_dma source(%dma_start3A_384 : memref<80xi32, #tpu.memory_space<hbm>>) target(%dma_start3A_381 : memref<80xi32, #tpu.memory_space<vmem>>) target_semaphore(%arg15 : memref<!tpu.dma_semaphore, #tpu.memory_space<semaphore_mem>>)
      } else {
      }
      %gt3A = arith.constant 0 : i32
      %gt3A_236 = arith.cmpi sgt, %scan3A_199, %gt3A : i32
      %convert_element_type3A_237 = arith.extui %gt3A_236 : i1 to i32
      %cond3A_238 = arith.constant 0 : i32
      %cond3A_239 = arith.cmpi ne, %convert_element_type3A_237, %cond3A_238 : i32
      scf.if %cond3A_239 {
        %dma_wait3A_357 = arith.constant 1 : i32
        %dma_wait3A_358 = arith.constant 1 : i32
        %dma_wait3A_359 = arith.constant 0 : i32
        %dma_wait3A_360 = arith.constant 0 : i32
        %dma_wait3A_361 = tpu.memref_slice %arg9[%dma_wait3A_357, %dma_wait3A_359, %dma_wait3A_360] : memref<2x80x128xf32, #tpu.memory_space<vmem>> -> memref<1x80x128xf32, #tpu.memory_space<vmem>>
        %dma_wait3A_362 = tpu.memref_squeeze %dma_wait3A_361 : memref<1x80x128xf32, #tpu.memory_space<vmem>> -> memref<80x128xf32, #tpu.memory_space<vmem>>
        %dma_wait3A_363 = arith.constant 0 : i32
        %dma_wait3A_364 = tpu.memref_slice %arg8[%rem3A_202, %dma_wait3A_358, %dma_wait3A_363] : memref<2x2x80xi32, #tpu.memory_space<vmem>> -> memref<1x1x80xi32, #tpu.memory_space<vmem>>
        %dma_wait3A_365 = tpu.memref_squeeze %dma_wait3A_364 : memref<1x1x80xi32, #tpu.memory_space<vmem>> -> memref<80xi32, #tpu.memory_space<vmem>>
        %dma_wait3A_366 = arith.constant 0 : i32
        %dma_wait3A_367 = arith.constant 0 : i32
        %dma_wait3A_368 = tpu.memref_slice %arg10[%dma_wait3A_366, %dma_wait3A_367] : memref<10000x128xf32, #tpu.memory_space<vmem_shared>> -> memref<10000x128xf32, #tpu.memory_space<vmem_shared>>
        tpu.wait_indirect_dma semaphore(%arg14 : memref<!tpu.dma_semaphore, #tpu.memory_space<semaphore_mem>>) src(%dma_wait3A_362 : memref<80x128xf32, #tpu.memory_space<vmem>>) dst(%dma_wait3A_368 : memref<10000x128xf32, #tpu.memory_space<vmem_shared>>)
      } else {
      }
      %dma_start3A_240 = arith.constant 1 : i32
      %dma_start3A_241 = arith.constant 1 : i32
      %dma_start3A_242 = arith.constant 0 : i32
      %dma_start3A_243 = arith.constant 0 : i32
      %dma_start3A_244 = tpu.memref_slice %arg9[%dma_start3A_241, %dma_start3A_242, %dma_start3A_243] : memref<2x80x128xf32, #tpu.memory_space<vmem>> -> memref<1x80x128xf32, #tpu.memory_space<vmem>>
      %dma_start3A_245 = tpu.memref_squeeze %dma_start3A_244 : memref<1x80x128xf32, #tpu.memory_space<vmem>> -> memref<80x128xf32, #tpu.memory_space<vmem>>
      %dma_start3A_246 = arith.constant 0 : i32
      %dma_start3A_247 = tpu.memref_slice %arg7[%rem3A_202, %dma_start3A_240, %dma_start3A_246] : memref<2x2x80xi32, #tpu.memory_space<vmem>> -> memref<1x1x80xi32, #tpu.memory_space<vmem>>
      %dma_start3A_248 = tpu.memref_squeeze %dma_start3A_247 : memref<1x1x80xi32, #tpu.memory_space<vmem>> -> memref<80xi32, #tpu.memory_space<vmem>>
      %dma_start3A_249 = arith.constant 0 : i32
      %dma_start3A_250 = arith.constant 0 : i32
      %dma_start3A_251 = tpu.memref_slice %arg2[%dma_start3A_249, %dma_start3A_250] : memref<10000x128xf32, #tpu.memory_space<hbm>> -> memref<10000x128xf32, #tpu.memory_space<hbm>>
      tpu.enqueue_indirect_dma source(%dma_start3A_251 : memref<10000x128xf32, #tpu.memory_space<hbm>>) target(%dma_start3A_245 : memref<80x128xf32, #tpu.memory_space<vmem>>) offsets(%dma_start3A_248 : memref<80xi32, #tpu.memory_space<vmem>>) semaphore(%arg12 : memref<!tpu.dma_semaphore, #tpu.memory_space<semaphore_mem>>)
      %dma_wait3A_252 = arith.constant 0 : i32
      %dma_wait3A_253 = arith.constant 0 : i32
      %dma_wait3A_254 = arith.constant 0 : i32
      %dma_wait3A_255 = arith.constant 0 : i32
      %dma_wait3A_256 = tpu.memref_slice %arg9[%dma_wait3A_253, %dma_wait3A_254, %dma_wait3A_255] : memref<2x80x128xf32, #tpu.memory_space<vmem>> -> memref<1x80x128xf32, #tpu.memory_space<vmem>>
      %dma_wait3A_257 = tpu.memref_squeeze %dma_wait3A_256 : memref<1x80x128xf32, #tpu.memory_space<vmem>> -> memref<80x128xf32, #tpu.memory_space<vmem>>
      %dma_wait3A_258 = arith.constant 0 : i32
      %dma_wait3A_259 = tpu.memref_slice %arg7[%rem3A_202, %dma_wait3A_252, %dma_wait3A_258] : memref<2x2x80xi32, #tpu.memory_space<vmem>> -> memref<1x1x80xi32, #tpu.memory_space<vmem>>
      %dma_wait3A_260 = tpu.memref_squeeze %dma_wait3A_259 : memref<1x1x80xi32, #tpu.memory_space<vmem>> -> memref<80xi32, #tpu.memory_space<vmem>>
      %dma_wait3A_261 = arith.constant 0 : i32
      %dma_wait3A_262 = arith.constant 0 : i32
      %dma_wait3A_263 = tpu.memref_slice %arg2[%dma_wait3A_261, %dma_wait3A_262] : memref<10000x128xf32, #tpu.memory_space<hbm>> -> memref<10000x128xf32, #tpu.memory_space<hbm>>
      tpu.wait_indirect_dma semaphore(%arg11 : memref<!tpu.dma_semaphore, #tpu.memory_space<semaphore_mem>>) src(%dma_wait3A_263 : memref<10000x128xf32, #tpu.memory_space<hbm>>) dst(%dma_wait3A_257 : memref<80x128xf32, #tpu.memory_space<vmem>>)
      %dma_start3A_264 = arith.constant 0 : i32
      %dma_start3A_265 = arith.constant 0 : i32
      %dma_start3A_266 = arith.constant 0 : i32
      %dma_start3A_267 = arith.constant 0 : i32
      %dma_start3A_268 = tpu.memref_slice %arg9[%dma_start3A_264, %dma_start3A_266, %dma_start3A_267] : memref<2x80x128xf32, #tpu.memory_space<vmem>> -> memref<1x80x128xf32, #tpu.memory_space<vmem>>
      %dma_start3A_269 = tpu.memref_squeeze %dma_start3A_268 : memref<1x80x128xf32, #tpu.memory_space<vmem>> -> memref<80x128xf32, #tpu.memory_space<vmem>>
      %dma_start3A_270 = arith.constant 0 : i32
      %dma_start3A_271 = tpu.memref_slice %arg8[%rem3A_202, %dma_start3A_265, %dma_start3A_270] : memref<2x2x80xi32, #tpu.memory_space<vmem>> -> memref<1x1x80xi32, #tpu.memory_space<vmem>>
      %dma_start3A_272 = tpu.memref_squeeze %dma_start3A_271 : memref<1x1x80xi32, #tpu.memory_space<vmem>> -> memref<80xi32, #tpu.memory_space<vmem>>
      %dma_start3A_273 = arith.constant 0 : i32
      %dma_start3A_274 = arith.constant 0 : i32
      %dma_start3A_275 = tpu.memref_slice %arg10[%dma_start3A_273, %dma_start3A_274] : memref<10000x128xf32, #tpu.memory_space<vmem_shared>> -> memref<10000x128xf32, #tpu.memory_space<vmem_shared>>
      tpu.enqueue_indirect_dma source(%dma_start3A_269 : memref<80x128xf32, #tpu.memory_space<vmem>>) target(%dma_start3A_275 : memref<10000x128xf32, #tpu.memory_space<vmem_shared>>) offsets(%dma_start3A_272 : memref<80xi32, #tpu.memory_space<vmem>>) semaphore(%arg13 : memref<!tpu.dma_semaphore, #tpu.memory_space<semaphore_mem>>) {add = true}
      %dma_wait3A_276 = arith.constant 1 : i32
      %dma_wait3A_277 = arith.constant 1 : i32
      %dma_wait3A_278 = arith.constant 0 : i32
      %dma_wait3A_279 = arith.constant 0 : i32
      %dma_wait3A_280 = tpu.memref_slice %arg9[%dma_wait3A_277, %dma_wait3A_278, %dma_wait3A_279] : memref<2x80x128xf32, #tpu.memory_space<vmem>> -> memref<1x80x128xf32, #tpu.memory_space<vmem>>
      %dma_wait3A_281 = tpu.memref_squeeze %dma_wait3A_280 : memref<1x80x128xf32, #tpu.memory_space<vmem>> -> memref<80x128xf32, #tpu.memory_space<vmem>>
      %dma_wait3A_282 = arith.constant 0 : i32
      %dma_wait3A_283 = tpu.memref_slice %arg7[%rem3A_202, %dma_wait3A_276, %dma_wait3A_282] : memref<2x2x80xi32, #tpu.memory_space<vmem>> -> memref<1x1x80xi32, #tpu.memory_space<vmem>>
      %dma_wait3A_284 = tpu.memref_squeeze %dma_wait3A_283 : memref<1x1x80xi32, #tpu.memory_space<vmem>> -> memref<80xi32, #tpu.memory_space<vmem>>
      %dma_wait3A_285 = arith.constant 0 : i32
      %dma_wait3A_286 = arith.constant 0 : i32
      %dma_wait3A_287 = tpu.memref_slice %arg2[%dma_wait3A_285, %dma_wait3A_286] : memref<10000x128xf32, #tpu.memory_space<hbm>> -> memref<10000x128xf32, #tpu.memory_space<hbm>>
      tpu.wait_indirect_dma semaphore(%arg12 : memref<!tpu.dma_semaphore, #tpu.memory_space<semaphore_mem>>) src(%dma_wait3A_287 : memref<10000x128xf32, #tpu.memory_space<hbm>>) dst(%dma_wait3A_281 : memref<80x128xf32, #tpu.memory_space<vmem>>)
      %dma_start3A_288 = arith.constant 1 : i32
      %dma_start3A_289 = arith.constant 1 : i32
      %dma_start3A_290 = arith.constant 0 : i32
      %dma_start3A_291 = arith.constant 0 : i32
      %dma_start3A_292 = tpu.memref_slice %arg9[%dma_start3A_288, %dma_start3A_290, %dma_start3A_291] : memref<2x80x128xf32, #tpu.memory_space<vmem>> -> memref<1x80x128xf32, #tpu.memory_space<vmem>>
      %dma_start3A_293 = tpu.memref_squeeze %dma_start3A_292 : memref<1x80x128xf32, #tpu.memory_space<vmem>> -> memref<80x128xf32, #tpu.memory_space<vmem>>
      %dma_start3A_294 = arith.constant 0 : i32
      %dma_start3A_295 = tpu.memref_slice %arg8[%rem3A_202, %dma_start3A_289, %dma_start3A_294] : memref<2x2x80xi32, #tpu.memory_space<vmem>> -> memref<1x1x80xi32, #tpu.memory_space<vmem>>
      %dma_start3A_296 = tpu.memref_squeeze %dma_start3A_295 : memref<1x1x80xi32, #tpu.memory_space<vmem>> -> memref<80xi32, #tpu.memory_space<vmem>>
      %dma_start3A_297 = arith.constant 0 : i32
      %dma_start3A_298 = arith.constant 0 : i32
      %dma_start3A_299 = tpu.memref_slice %arg10[%dma_start3A_297, %dma_start3A_298] : memref<10000x128xf32, #tpu.memory_space<vmem_shared>> -> memref<10000x128xf32, #tpu.memory_space<vmem_shared>>
      tpu.enqueue_indirect_dma source(%dma_start3A_293 : memref<80x128xf32, #tpu.memory_space<vmem>>) target(%dma_start3A_299 : memref<10000x128xf32, #tpu.memory_space<vmem_shared>>) offsets(%dma_start3A_296 : memref<80xi32, #tpu.memory_space<vmem>>) semaphore(%arg14 : memref<!tpu.dma_semaphore, #tpu.memory_space<semaphore_mem>>) {add = true}
      %dma_wait3A_300 = arith.constant 0 : i32
      %dma_wait3A_301 = arith.constant 0 : i32
      %dma_wait3A_302 = arith.constant 0 : i32
      %dma_wait3A_303 = arith.constant 0 : i32
      %dma_wait3A_304 = tpu.memref_slice %arg9[%dma_wait3A_300, %dma_wait3A_302, %dma_wait3A_303] : memref<2x80x128xf32, #tpu.memory_space<vmem>> -> memref<1x80x128xf32, #tpu.memory_space<vmem>>
      %dma_wait3A_305 = tpu.memref_squeeze %dma_wait3A_304 : memref<1x80x128xf32, #tpu.memory_space<vmem>> -> memref<80x128xf32, #tpu.memory_space<vmem>>
      %dma_wait3A_306 = arith.constant 0 : i32
      %dma_wait3A_307 = tpu.memref_slice %arg8[%rem3A_202, %dma_wait3A_301, %dma_wait3A_306] : memref<2x2x80xi32, #tpu.memory_space<vmem>> -> memref<1x1x80xi32, #tpu.memory_space<vmem>>
      %dma_wait3A_308 = tpu.memref_squeeze %dma_wait3A_307 : memref<1x1x80xi32, #tpu.memory_space<vmem>> -> memref<80xi32, #tpu.memory_space<vmem>>
      %dma_wait3A_309 = arith.constant 0 : i32
      %dma_wait3A_310 = arith.constant 0 : i32
      %dma_wait3A_311 = tpu.memref_slice %arg10[%dma_wait3A_309, %dma_wait3A_310] : memref<10000x128xf32, #tpu.memory_space<vmem_shared>> -> memref<10000x128xf32, #tpu.memory_space<vmem_shared>>
      tpu.wait_indirect_dma semaphore(%arg13 : memref<!tpu.dma_semaphore, #tpu.memory_space<semaphore_mem>>) src(%dma_wait3A_305 : memref<80x128xf32, #tpu.memory_space<vmem>>) dst(%dma_wait3A_311 : memref<10000x128xf32, #tpu.memory_space<vmem_shared>>)
      %add3A_312 = arith.constant 2 : i32
      %add3A_313 = arith.addi %mul3A_201, %add3A_312 : i32
      %dma_wait3A_314 = arith.constant 0 : i32
      %dma_wait3A_315 = arith.constant 0 : i32
      %dma_wait3A_316 = tpu.memref_slice %arg7[%sub3A_203, %dma_wait3A_314, %dma_wait3A_315] : memref<2x2x80xi32, #tpu.memory_space<vmem>> -> memref<1x1x80xi32, #tpu.memory_space<vmem>>
      %dma_wait3A_317 = tpu.memref_squeeze %dma_wait3A_316 : memref<1x1x80xi32, #tpu.memory_space<vmem>> -> memref<80xi32, #tpu.memory_space<vmem>>
      %dma_wait3A_318 = arith.constant 0 : i32
      %dma_wait3A_319 = tpu.memref_slice %arg3[%add3A, %add3A_313, %dma_wait3A_318] : memref<32x125x80xi32, #tpu.memory_space<hbm>> -> memref<1x1x80xi32, #tpu.memory_space<hbm>>
      %dma_wait3A_320 = tpu.memref_squeeze %dma_wait3A_319 : memref<1x1x80xi32, #tpu.memory_space<hbm>> -> memref<80xi32, #tpu.memory_space<hbm>>
      %dma_wait3A_321 = arith.constant 0 : i32
      %dma_wait3A_322 = tpu.memref_slice %arg7[%sub3A_203, %dma_wait3A_314, %dma_wait3A_321] : memref<2x2x80xi32, #tpu.memory_space<vmem>> -> memref<1x1x80xi32, #tpu.memory_space<vmem>>
      %dma_wait3A_323 = tpu.memref_squeeze %dma_wait3A_322 : memref<1x1x80xi32, #tpu.memory_space<vmem>> -> memref<80xi32, #tpu.memory_space<vmem>>
      %dma_wait3A_324 = arith.constant 0 : i32
      %dma_wait3A_325 = tpu.memref_slice %arg3[%add3A, %add3A_313, %dma_wait3A_324] : memref<32x125x80xi32, #tpu.memory_space<hbm>> -> memref<1x1x80xi32, #tpu.memory_space<hbm>>
      %dma_wait3A_326 = tpu.memref_squeeze %dma_wait3A_325 : memref<1x1x80xi32, #tpu.memory_space<hbm>> -> memref<80xi32, #tpu.memory_space<hbm>>
      tpu.wait_dma2 semaphore(%arg15 : memref<!tpu.dma_semaphore, #tpu.memory_space<semaphore_mem>>) src(%dma_wait3A_326 : memref<80xi32, #tpu.memory_space<hbm>>) dst(%dma_wait3A_323 : memref<80xi32, #tpu.memory_space<vmem>>)
      %dma_wait3A_327 = arith.constant 0 : i32
      %dma_wait3A_328 = arith.constant 0 : i32
      %dma_wait3A_329 = tpu.memref_slice %arg8[%sub3A_203, %dma_wait3A_327, %dma_wait3A_328] : memref<2x2x80xi32, #tpu.memory_space<vmem>> -> memref<1x1x80xi32, #tpu.memory_space<vmem>>
      %dma_wait3A_330 = tpu.memref_squeeze %dma_wait3A_329 : memref<1x1x80xi32, #tpu.memory_space<vmem>> -> memref<80xi32, #tpu.memory_space<vmem>>
      %dma_wait3A_331 = arith.constant 0 : i32
      %dma_wait3A_332 = tpu.memref_slice %arg4[%add3A, %add3A_313, %dma_wait3A_331] : memref<32x125x80xi32, #tpu.memory_space<hbm>> -> memref<1x1x80xi32, #tpu.memory_space<hbm>>
      %dma_wait3A_333 = tpu.memref_squeeze %dma_wait3A_332 : memref<1x1x80xi32, #tpu.memory_space<hbm>> -> memref<80xi32, #tpu.memory_space<hbm>>
      %dma_wait3A_334 = arith.constant 0 : i32
      %dma_wait3A_335 = tpu.memref_slice %arg8[%sub3A_203, %dma_wait3A_327, %dma_wait3A_334] : memref<2x2x80xi32, #tpu.memory_space<vmem>> -> memref<1x1x80xi32, #tpu.memory_space<vmem>>
      %dma_wait3A_336 = tpu.memref_squeeze %dma_wait3A_335 : memref<1x1x80xi32, #tpu.memory_space<vmem>> -> memref<80xi32, #tpu.memory_space<vmem>>
      %dma_wait3A_337 = arith.constant 0 : i32
      %dma_wait3A_338 = tpu.memref_slice %arg4[%add3A, %add3A_313, %dma_wait3A_337] : memref<32x125x80xi32, #tpu.memory_space<hbm>> -> memref<1x1x80xi32, #tpu.memory_space<hbm>>
      %dma_wait3A_339 = tpu.memref_squeeze %dma_wait3A_338 : memref<1x1x80xi32, #tpu.memory_space<hbm>> -> memref<80xi32, #tpu.memory_space<hbm>>
      tpu.wait_dma2 semaphore(%arg15 : memref<!tpu.dma_semaphore, #tpu.memory_space<semaphore_mem>>) src(%dma_wait3A_339 : memref<80xi32, #tpu.memory_space<hbm>>) dst(%dma_wait3A_336 : memref<80xi32, #tpu.memory_space<vmem>>)
      %lt3A_340 = arith.constant 61 : i32
      %lt3A_341 = arith.cmpi slt, %scan3A_199, %lt3A_340 : i32
      %convert_element_type3A_342 = arith.extui %lt3A_341 : i1 to i32
      %cond3A_343 = arith.constant 0 : i32
      %cond3A_344 = arith.cmpi ne, %convert_element_type3A_342, %cond3A_343 : i32
      scf.if %cond3A_344 {
        %add3A_357 = arith.constant 3 : i32
        %add3A_358 = arith.addi %mul3A_201, %add3A_357 : i32
        %dma_wait3A_359 = arith.constant 1 : i32
        %dma_wait3A_360 = arith.constant 0 : i32
        %dma_wait3A_361 = tpu.memref_slice %arg7[%sub3A_203, %dma_wait3A_359, %dma_wait3A_360] : memref<2x2x80xi32, #tpu.memory_space<vmem>> -> memref<1x1x80xi32, #tpu.memory_space<vmem>>
        %dma_wait3A_362 = tpu.memref_squeeze %dma_wait3A_361 : memref<1x1x80xi32, #tpu.memory_space<vmem>> -> memref<80xi32, #tpu.memory_space<vmem>>
        %dma_wait3A_363 = arith.constant 0 : i32
        %dma_wait3A_364 = tpu.memref_slice %arg3[%add3A, %add3A_358, %dma_wait3A_363] : memref<32x125x80xi32, #tpu.memory_space<hbm>> -> memref<1x1x80xi32, #tpu.memory_space<hbm>>
        %dma_wait3A_365 = tpu.memref_squeeze %dma_wait3A_364 : memref<1x1x80xi32, #tpu.memory_space<hbm>> -> memref<80xi32, #tpu.memory_space<hbm>>
        %dma_wait3A_366 = arith.constant 0 : i32
        %dma_wait3A_367 = tpu.memref_slice %arg7[%sub3A_203, %dma_wait3A_359, %dma_wait3A_366] : memref<2x2x80xi32, #tpu.memory_space<vmem>> -> memref<1x1x80xi32, #tpu.memory_space<vmem>>
        %dma_wait3A_368 = tpu.memref_squeeze %dma_wait3A_367 : memref<1x1x80xi32, #tpu.memory_space<vmem>> -> memref<80xi32, #tpu.memory_space<vmem>>
        %dma_wait3A_369 = arith.constant 0 : i32
        %dma_wait3A_370 = tpu.memref_slice %arg3[%add3A, %add3A_358, %dma_wait3A_369] : memref<32x125x80xi32, #tpu.memory_space<hbm>> -> memref<1x1x80xi32, #tpu.memory_space<hbm>>
        %dma_wait3A_371 = tpu.memref_squeeze %dma_wait3A_370 : memref<1x1x80xi32, #tpu.memory_space<hbm>> -> memref<80xi32, #tpu.memory_space<hbm>>
        tpu.wait_dma2 semaphore(%arg15 : memref<!tpu.dma_semaphore, #tpu.memory_space<semaphore_mem>>) src(%dma_wait3A_371 : memref<80xi32, #tpu.memory_space<hbm>>) dst(%dma_wait3A_368 : memref<80xi32, #tpu.memory_space<vmem>>)
        %dma_wait3A_372 = arith.constant 1 : i32
        %dma_wait3A_373 = arith.constant 0 : i32
        %dma_wait3A_374 = tpu.memref_slice %arg8[%sub3A_203, %dma_wait3A_372, %dma_wait3A_373] : memref<2x2x80xi32, #tpu.memory_space<vmem>> -> memref<1x1x80xi32, #tpu.memory_space<vmem>>
        %dma_wait3A_375 = tpu.memref_squeeze %dma_wait3A_374 : memref<1x1x80xi32, #tpu.memory_space<vmem>> -> memref<80xi32, #tpu.memory_space<vmem>>
        %dma_wait3A_376 = arith.constant 0 : i32
        %dma_wait3A_377 = tpu.memref_slice %arg4[%add3A, %add3A_358, %dma_wait3A_376] : memref<32x125x80xi32, #tpu.memory_space<hbm>> -> memref<1x1x80xi32, #tpu.memory_space<hbm>>
        %dma_wait3A_378 = tpu.memref_squeeze %dma_wait3A_377 : memref<1x1x80xi32, #tpu.memory_space<hbm>> -> memref<80xi32, #tpu.memory_space<hbm>>
        %dma_wait3A_379 = arith.constant 0 : i32
        %dma_wait3A_380 = tpu.memref_slice %arg8[%sub3A_203, %dma_wait3A_372, %dma_wait3A_379] : memref<2x2x80xi32, #tpu.memory_space<vmem>> -> memref<1x1x80xi32, #tpu.memory_space<vmem>>
        %dma_wait3A_381 = tpu.memref_squeeze %dma_wait3A_380 : memref<1x1x80xi32, #tpu.memory_space<vmem>> -> memref<80xi32, #tpu.memory_space<vmem>>
        %dma_wait3A_382 = arith.constant 0 : i32
        %dma_wait3A_383 = tpu.memref_slice %arg4[%add3A, %add3A_358, %dma_wait3A_382] : memref<32x125x80xi32, #tpu.memory_space<hbm>> -> memref<1x1x80xi32, #tpu.memory_space<hbm>>
        %dma_wait3A_384 = tpu.memref_squeeze %dma_wait3A_383 : memref<1x1x80xi32, #tpu.memory_space<hbm>> -> memref<80xi32, #tpu.memory_space<hbm>>
        tpu.wait_dma2 semaphore(%arg15 : memref<!tpu.dma_semaphore, #tpu.memory_space<semaphore_mem>>) src(%dma_wait3A_384 : memref<80xi32, #tpu.memory_space<hbm>>) dst(%dma_wait3A_381 : memref<80xi32, #tpu.memory_space<vmem>>)
      } else {
      }
      %dma_start3A_345 = arith.constant 0 : i32
      %dma_start3A_346 = arith.constant 0 : i32
      %dma_start3A_347 = arith.constant 0 : i32
      %dma_start3A_348 = arith.constant 0 : i32
      %dma_start3A_349 = tpu.memref_slice %arg9[%dma_start3A_346, %dma_start3A_347, %dma_start3A_348] : memref<2x80x128xf32, #tpu.memory_space<vmem>> -> memref<1x80x128xf32, #tpu.memory_space<vmem>>
      %dma_start3A_350 = tpu.memref_squeeze %dma_start3A_349 : memref<1x80x128xf32, #tpu.memory_space<vmem>> -> memref<80x128xf32, #tpu.memory_space<vmem>>
      %dma_start3A_351 = arith.constant 0 : i32
      %dma_start3A_352 = tpu.memref_slice %arg7[%sub3A_203, %dma_start3A_345, %dma_start3A_351] : memref<2x2x80xi32, #tpu.memory_space<vmem>> -> memref<1x1x80xi32, #tpu.memory_space<vmem>>
      %dma_start3A_353 = tpu.memref_squeeze %dma_start3A_352 : memref<1x1x80xi32, #tpu.memory_space<vmem>> -> memref<80xi32, #tpu.memory_space<vmem>>
      %dma_start3A_354 = arith.constant 0 : i32
      %dma_start3A_355 = arith.constant 0 : i32
      %dma_start3A_356 = tpu.memref_slice %arg2[%dma_start3A_354, %dma_start3A_355] : memref<10000x128xf32, #tpu.memory_space<hbm>> -> memref<10000x128xf32, #tpu.memory_space<hbm>>
      tpu.enqueue_indirect_dma source(%dma_start3A_356 : memref<10000x128xf32, #tpu.memory_space<hbm>>) target(%dma_start3A_350 : memref<80x128xf32, #tpu.memory_space<vmem>>) offsets(%dma_start3A_353 : memref<80xi32, #tpu.memory_space<vmem>>) semaphore(%arg11 : memref<!tpu.dma_semaphore, #tpu.memory_space<semaphore_mem>>)
    }
    %scan3A_140 = arith.constant 62 : i32
    %dma_wait3A_141 = arith.constant 0 : i32
    %dma_wait3A_142 = arith.constant 0 : i32
    %dma_wait3A_143 = arith.constant 0 : i32
    %dma_wait3A_144 = arith.constant 0 : i32
    %dma_wait3A_145 = arith.constant 0 : i32
    %dma_wait3A_146 = tpu.memref_slice %arg9[%dma_wait3A_143, %dma_wait3A_144, %dma_wait3A_145] : memref<2x80x128xf32, #tpu.memory_space<vmem>> -> memref<1x80x128xf32, #tpu.memory_space<vmem>>
    %dma_wait3A_147 = tpu.memref_squeeze %dma_wait3A_146 : memref<1x80x128xf32, #tpu.memory_space<vmem>> -> memref<80x128xf32, #tpu.memory_space<vmem>>
    %dma_wait3A_148 = arith.constant 0 : i32
    %dma_wait3A_149 = tpu.memref_slice %arg7[%dma_wait3A_141, %dma_wait3A_142, %dma_wait3A_148] : memref<2x2x80xi32, #tpu.memory_space<vmem>> -> memref<1x1x80xi32, #tpu.memory_space<vmem>>
    %dma_wait3A_150 = tpu.memref_squeeze %dma_wait3A_149 : memref<1x1x80xi32, #tpu.memory_space<vmem>> -> memref<80xi32, #tpu.memory_space<vmem>>
    %dma_wait3A_151 = arith.constant 0 : i32
    %dma_wait3A_152 = arith.constant 0 : i32
    %dma_wait3A_153 = tpu.memref_slice %arg2[%dma_wait3A_151, %dma_wait3A_152] : memref<10000x128xf32, #tpu.memory_space<hbm>> -> memref<10000x128xf32, #tpu.memory_space<hbm>>
    tpu.wait_indirect_dma semaphore(%arg11 : memref<!tpu.dma_semaphore, #tpu.memory_space<semaphore_mem>>) src(%dma_wait3A_153 : memref<10000x128xf32, #tpu.memory_space<hbm>>) dst(%dma_wait3A_147 : memref<80x128xf32, #tpu.memory_space<vmem>>)
    %dma_start3A_154 = arith.constant 0 : i32
    %dma_start3A_155 = arith.constant 0 : i32
    %dma_start3A_156 = arith.constant 0 : i32
    %dma_start3A_157 = arith.constant 0 : i32
    %dma_start3A_158 = arith.constant 0 : i32
    %dma_start3A_159 = tpu.memref_slice %arg9[%dma_start3A_154, %dma_start3A_157, %dma_start3A_158] : memref<2x80x128xf32, #tpu.memory_space<vmem>> -> memref<1x80x128xf32, #tpu.memory_space<vmem>>
    %dma_start3A_160 = tpu.memref_squeeze %dma_start3A_159 : memref<1x80x128xf32, #tpu.memory_space<vmem>> -> memref<80x128xf32, #tpu.memory_space<vmem>>
    %dma_start3A_161 = arith.constant 0 : i32
    %dma_start3A_162 = tpu.memref_slice %arg8[%dma_start3A_155, %dma_start3A_156, %dma_start3A_161] : memref<2x2x80xi32, #tpu.memory_space<vmem>> -> memref<1x1x80xi32, #tpu.memory_space<vmem>>
    %dma_start3A_163 = tpu.memref_squeeze %dma_start3A_162 : memref<1x1x80xi32, #tpu.memory_space<vmem>> -> memref<80xi32, #tpu.memory_space<vmem>>
    %dma_start3A_164 = arith.constant 0 : i32
    %dma_start3A_165 = arith.constant 0 : i32
    %dma_start3A_166 = tpu.memref_slice %arg10[%dma_start3A_164, %dma_start3A_165] : memref<10000x128xf32, #tpu.memory_space<vmem_shared>> -> memref<10000x128xf32, #tpu.memory_space<vmem_shared>>
    tpu.enqueue_indirect_dma source(%dma_start3A_160 : memref<80x128xf32, #tpu.memory_space<vmem>>) target(%dma_start3A_166 : memref<10000x128xf32, #tpu.memory_space<vmem_shared>>) offsets(%dma_start3A_163 : memref<80xi32, #tpu.memory_space<vmem>>) semaphore(%arg13 : memref<!tpu.dma_semaphore, #tpu.memory_space<semaphore_mem>>) {add = true}
    %dma_wait3A_167 = arith.constant 1 : i32
    %dma_wait3A_168 = arith.constant 1 : i32
    %dma_wait3A_169 = arith.constant 1 : i32
    %dma_wait3A_170 = arith.constant 0 : i32
    %dma_wait3A_171 = arith.constant 0 : i32
    %dma_wait3A_172 = tpu.memref_slice %arg9[%dma_wait3A_167, %dma_wait3A_170, %dma_wait3A_171] : memref<2x80x128xf32, #tpu.memory_space<vmem>> -> memref<1x80x128xf32, #tpu.memory_space<vmem>>
    %dma_wait3A_173 = tpu.memref_squeeze %dma_wait3A_172 : memref<1x80x128xf32, #tpu.memory_space<vmem>> -> memref<80x128xf32, #tpu.memory_space<vmem>>
    %dma_wait3A_174 = arith.constant 0 : i32
    %dma_wait3A_175 = tpu.memref_slice %arg8[%dma_wait3A_168, %dma_wait3A_169, %dma_wait3A_174] : memref<2x2x80xi32, #tpu.memory_space<vmem>> -> memref<1x1x80xi32, #tpu.memory_space<vmem>>
    %dma_wait3A_176 = tpu.memref_squeeze %dma_wait3A_175 : memref<1x1x80xi32, #tpu.memory_space<vmem>> -> memref<80xi32, #tpu.memory_space<vmem>>
    %dma_wait3A_177 = arith.constant 0 : i32
    %dma_wait3A_178 = arith.constant 0 : i32
    %dma_wait3A_179 = tpu.memref_slice %arg10[%dma_wait3A_177, %dma_wait3A_178] : memref<10000x128xf32, #tpu.memory_space<vmem_shared>> -> memref<10000x128xf32, #tpu.memory_space<vmem_shared>>
    tpu.wait_indirect_dma semaphore(%arg14 : memref<!tpu.dma_semaphore, #tpu.memory_space<semaphore_mem>>) src(%dma_wait3A_173 : memref<80x128xf32, #tpu.memory_space<vmem>>) dst(%dma_wait3A_179 : memref<10000x128xf32, #tpu.memory_space<vmem_shared>>)
    %dma_wait3A_180 = arith.constant 0 : i32
    %dma_wait3A_181 = arith.constant 0 : i32
    %dma_wait3A_182 = arith.constant 0 : i32
    %dma_wait3A_183 = arith.constant 0 : i32
    %dma_wait3A_184 = arith.constant 0 : i32
    %dma_wait3A_185 = tpu.memref_slice %arg9[%dma_wait3A_180, %dma_wait3A_183, %dma_wait3A_184] : memref<2x80x128xf32, #tpu.memory_space<vmem>> -> memref<1x80x128xf32, #tpu.memory_space<vmem>>
    %dma_wait3A_186 = tpu.memref_squeeze %dma_wait3A_185 : memref<1x80x128xf32, #tpu.memory_space<vmem>> -> memref<80x128xf32, #tpu.memory_space<vmem>>
    %dma_wait3A_187 = arith.constant 0 : i32
    %dma_wait3A_188 = tpu.memref_slice %arg8[%dma_wait3A_181, %dma_wait3A_182, %dma_wait3A_187] : memref<2x2x80xi32, #tpu.memory_space<vmem>> -> memref<1x1x80xi32, #tpu.memory_space<vmem>>
    %dma_wait3A_189 = tpu.memref_squeeze %dma_wait3A_188 : memref<1x1x80xi32, #tpu.memory_space<vmem>> -> memref<80xi32, #tpu.memory_space<vmem>>
    %dma_wait3A_190 = arith.constant 0 : i32
    %dma_wait3A_191 = arith.constant 0 : i32
    %dma_wait3A_192 = tpu.memref_slice %arg10[%dma_wait3A_190, %dma_wait3A_191] : memref<10000x128xf32, #tpu.memory_space<vmem_shared>> -> memref<10000x128xf32, #tpu.memory_space<vmem_shared>>
    tpu.wait_indirect_dma semaphore(%arg13 : memref<!tpu.dma_semaphore, #tpu.memory_space<semaphore_mem>>) src(%dma_wait3A_186 : memref<80x128xf32, #tpu.memory_space<vmem>>) dst(%dma_wait3A_192 : memref<10000x128xf32, #tpu.memory_space<vmem_shared>>)
    %barrier3A_193 = arith.constant 0 : index
    tpu.barrier barrier_id(%barrier3A_193)
    "tpu.region"() ({
      %run_scoped3A = tpu.sem_alloc : memref<!tpu.dma_semaphore, #tpu.memory_space<semaphore_mem>>
      %dma_start3A_199 = arith.constant 0 : i32
      %dma_start3A_200 = tpu.memref_slice %arg6[%arg0, %mul3A_2, %dma_start3A_199] : memref<2x10000x128xf32, #tpu.memory_space<hbm>> -> memref<1x624x128xf32, #tpu.memory_space<hbm>>
      %dma_start3A_201 = tpu.memref_squeeze %dma_start3A_200 : memref<1x624x128xf32, #tpu.memory_space<hbm>> -> memref<624x128xf32, #tpu.memory_space<hbm>>
      %dma_start3A_202 = arith.constant 0 : i32
      %dma_start3A_203 = tpu.memref_slice %arg10[%mul3A_2, %dma_start3A_202] : memref<10000x128xf32, #tpu.memory_space<vmem_shared>> -> memref<624x128xf32, #tpu.memory_space<vmem_shared>>
      tpu.enqueue_dma source(%dma_start3A_203 : memref<624x128xf32, #tpu.memory_space<vmem_shared>>) target(%dma_start3A_201 : memref<624x128xf32, #tpu.memory_space<hbm>>) target_semaphore(%run_scoped3A : memref<!tpu.dma_semaphore, #tpu.memory_space<semaphore_mem>>)
      %dma_wait3A_204 = arith.constant 0 : i32
      %dma_wait3A_205 = tpu.memref_slice %arg6[%arg0, %mul3A_2, %dma_wait3A_204] : memref<2x10000x128xf32, #tpu.memory_space<hbm>> -> memref<1x624x128xf32, #tpu.memory_space<hbm>>
      %dma_wait3A_206 = tpu.memref_squeeze %dma_wait3A_205 : memref<1x624x128xf32, #tpu.memory_space<hbm>> -> memref<624x128xf32, #tpu.memory_space<hbm>>
      %dma_wait3A_207 = arith.constant 0 : i32
      %dma_wait3A_208 = tpu.memref_slice %arg10[%mul3A_2, %dma_wait3A_207] : memref<10000x128xf32, #tpu.memory_space<vmem_shared>> -> memref<624x128xf32, #tpu.memory_space<vmem_shared>>
      tpu.wait_dma2 semaphore(%run_scoped3A : memref<!tpu.dma_semaphore, #tpu.memory_space<semaphore_mem>>) src(%dma_wait3A_208 : memref<624x128xf32, #tpu.memory_space<vmem_shared>>) dst(%dma_wait3A_206 : memref<624x128xf32, #tpu.memory_space<hbm>>)
      tpu.yield
    }) : () -> ()
    %eq3A_194 = arith.constant 15 : i32
    %eq3A_195 = arith.cmpi eq, %arg1, %eq3A_194 : i32
    %convert_element_type3A_196 = arith.extui %eq3A_195 : i1 to i32
    %cond3A_197 = arith.constant 0 : i32
    %cond3A_198 = arith.cmpi ne, %convert_element_type3A_196, %cond3A_197 : i32
    scf.if %cond3A_198 {
      "tpu.region"() ({
        %run_scoped3A = tpu.sem_alloc : memref<!tpu.dma_semaphore, #tpu.memory_space<semaphore_mem>>
        %dma_start3A_199 = arith.constant 9984 : i32
        %dma_start3A_200 = arith.constant 0 : i32
        %dma_start3A_201 = tpu.memref_slice %arg6[%arg0, %dma_start3A_199, %dma_start3A_200] : memref<2x10000x128xf32, #tpu.memory_space<hbm>> -> memref<1x16x128xf32, #tpu.memory_space<hbm>>
        %dma_start3A_202 = tpu.memref_squeeze %dma_start3A_201 : memref<1x16x128xf32, #tpu.memory_space<hbm>> -> memref<16x128xf32, #tpu.memory_space<hbm>>
        %dma_start3A_203 = arith.constant 9984 : i32
        %dma_start3A_204 = arith.constant 0 : i32
        %dma_start3A_205 = tpu.memref_slice %arg10[%dma_start3A_203, %dma_start3A_204] : memref<10000x128xf32, #tpu.memory_space<vmem_shared>> -> memref<16x128xf32, #tpu.memory_space<vmem_shared>>
        tpu.enqueue_dma source(%dma_start3A_205 : memref<16x128xf32, #tpu.memory_space<vmem_shared>>) target(%dma_start3A_202 : memref<16x128xf32, #tpu.memory_space<hbm>>) target_semaphore(%run_scoped3A : memref<!tpu.dma_semaphore, #tpu.memory_space<semaphore_mem>>)
        %dma_wait3A_206 = arith.constant 9984 : i32
        %dma_wait3A_207 = arith.constant 0 : i32
        %dma_wait3A_208 = tpu.memref_slice %arg6[%arg0, %dma_wait3A_206, %dma_wait3A_207] : memref<2x10000x128xf32, #tpu.memory_space<hbm>> -> memref<1x16x128xf32, #tpu.memory_space<hbm>>
        %dma_wait3A_209 = tpu.memref_squeeze %dma_wait3A_208 : memref<1x16x128xf32, #tpu.memory_space<hbm>> -> memref<16x128xf32, #tpu.memory_space<hbm>>
        %dma_wait3A_210 = arith.constant 9984 : i32
        %dma_wait3A_211 = arith.constant 0 : i32
        %dma_wait3A_212 = tpu.memref_slice %arg10[%dma_wait3A_210, %dma_wait3A_211] : memref<10000x128xf32, #tpu.memory_space<vmem_shared>> -> memref<16x128xf32, #tpu.memory_space<vmem_shared>>
        tpu.wait_dma2 semaphore(%run_scoped3A : memref<!tpu.dma_semaphore, #tpu.memory_space<semaphore_mem>>) src(%dma_wait3A_212 : memref<16x128xf32, #tpu.memory_space<vmem_shared>>) dst(%dma_wait3A_209 : memref<16x128xf32, #tpu.memory_space<hbm>>)
        tpu.yield
      }) : () -> ()
    } else {
    }
    return
  }
}

module attributes {stable_mosaic.version = 14 : i64} {
  func.func @_dense_body(%arg0: memref<10000x128xf32, #tpu.memory_space<vmem>>, %arg1: memref<2x10000x128xf32, #tpu.memory_space<vmem>>, %arg2: memref<128x128xf32, #tpu.memory_space<vmem>>, %arg3: memref<1x128xf32, #tpu.memory_space<vmem>>, %arg4: memref<128x128xf32, #tpu.memory_space<vmem>>, %arg5: memref<1x128xf32, #tpu.memory_space<vmem>>, %arg6: memref<1x128xf32, #tpu.memory_space<vmem>>, %arg7: memref<1x128xf32, #tpu.memory_space<vmem>>, %arg8: memref<10000x128xf32, #tpu.memory_space<vmem>>) attributes {dimension_semantics = [], scalar_prefetch = 0 : i64, scratch_operands = 0 : i64, tpu.core_type = #tpu.core_type<tc>} {
    %get3A = arith.constant 0 : index
    %get3A_0 = arith.constant 0 : index
    %get3A_1 = vector.load %arg0[%get3A, %get3A_0] : memref<10000x128xf32, #tpu.memory_space<vmem>>, vector<10000x128xf32>
    %get3A_2 = arith.constant 0 : index
    %get3A_3 = arith.constant 0 : index
    %get3A_4 = arith.constant 0 : index
    %get3A_5 = vector.load %arg1[%get3A_2, %get3A_3, %get3A_4] : memref<2x10000x128xf32, #tpu.memory_space<vmem>>, vector<1x10000x128xf32>
    %get3A_6 = vector.shape_cast %get3A_5 : vector<1x10000x128xf32> to vector<10000x128xf32>
    %add3A = arith.addf %get3A_1, %get3A_6 : vector<10000x128xf32>
    %get3A_7 = arith.constant 1 : index
    %get3A_8 = arith.constant 0 : index
    %get3A_9 = arith.constant 0 : index
    %get3A_10 = vector.load %arg1[%get3A_7, %get3A_8, %get3A_9] : memref<2x10000x128xf32, #tpu.memory_space<vmem>>, vector<1x10000x128xf32>
    %get3A_11 = vector.shape_cast %get3A_10 : vector<1x10000x128xf32> to vector<10000x128xf32>
    %add3A_12 = arith.addf %add3A, %get3A_11 : vector<10000x128xf32>
    %get3A_13 = arith.constant 0 : index
    %get3A_14 = arith.constant 0 : index
    %get3A_15 = vector.load %arg2[%get3A_13, %get3A_14] : memref<128x128xf32, #tpu.memory_space<vmem>>, vector<128x128xf32>
    %dot_general3A = arith.constant dense<0.000000e+00> : vector<10000x128xf32>
    %dot_general3A_16 = tpu.matmul %add3A_12, %get3A_15, %dot_general3A {dimension_numbers = #tpu.dot_dimension_numbers<[1], [1], [0], [0], [0, 0, 1, 0], [], []>, transpose_lhs_hint = false} : vector<10000x128xf32>, vector<128x128xf32>, vector<10000x128xf32> -> vector<10000x128xf32>
    %get3A_17 = arith.constant 0 : index
    %get3A_18 = arith.constant 0 : index
    %get3A_19 = vector.load %arg3[%get3A_17, %get3A_18] : memref<1x128xf32, #tpu.memory_space<vmem>>, vector<1x128xf32>
    %add3A_20 = vector.broadcast %get3A_19 : vector<1x128xf32> to vector<10000x128xf32>
    %add3A_21 = arith.addf %dot_general3A_16, %add3A_20 : vector<10000x128xf32>
    %max3A = arith.constant 0.000000e+00 : f32
    %max3A_22 = vector.broadcast %max3A : f32 to vector<10000x128xf32>
    %max3A_23 = arith.maximumf %add3A_21, %max3A_22 : vector<10000x128xf32>
    %get3A_24 = arith.constant 0 : index
    %get3A_25 = arith.constant 0 : index
    %get3A_26 = vector.load %arg4[%get3A_24, %get3A_25] : memref<128x128xf32, #tpu.memory_space<vmem>>, vector<128x128xf32>
    %dot_general3A_27 = arith.constant dense<0.000000e+00> : vector<10000x128xf32>
    %dot_general3A_28 = tpu.matmul %max3A_23, %get3A_26, %dot_general3A_27 {dimension_numbers = #tpu.dot_dimension_numbers<[1], [1], [0], [0], [0, 0, 1, 0], [], []>, transpose_lhs_hint = false} : vector<10000x128xf32>, vector<128x128xf32>, vector<10000x128xf32> -> vector<10000x128xf32>
    %get3A_29 = arith.constant 0 : index
    %get3A_30 = arith.constant 0 : index
    %get3A_31 = vector.load %arg5[%get3A_29, %get3A_30] : memref<1x128xf32, #tpu.memory_space<vmem>>, vector<1x128xf32>
    %add3A_32 = vector.broadcast %get3A_31 : vector<1x128xf32> to vector<10000x128xf32>
    %add3A_33 = arith.addf %dot_general3A_28, %add3A_32 : vector<10000x128xf32>
    %reduce_sum3A = arith.constant dense<0.000000e+00> : vector<128xf32>
    %reduce_sum3A_34 = vector.multi_reduction <add>, %add3A_33, %reduce_sum3A [0] : vector<10000x128xf32> to vector<128xf32>
    %broadcast_in_dim3A = vector.shape_cast %reduce_sum3A_34 : vector<128xf32> to vector<1x128xf32>
    %div3A = arith.constant 1.000000e+04 : f32
    %div3A_35 = vector.broadcast %div3A : f32 to vector<1x128xf32>
    %div3A_36 = arith.divf %broadcast_in_dim3A, %div3A_35 : vector<1x128xf32>
    %sub3A = vector.broadcast %div3A_36 : vector<1x128xf32> to vector<10000x128xf32>
    %sub3A_37 = arith.subf %add3A_33, %sub3A : vector<10000x128xf32>
    %mul3A = arith.mulf %sub3A_37, %sub3A_37 : vector<10000x128xf32>
    %reduce_sum3A_38 = arith.constant dense<0.000000e+00> : vector<128xf32>
    %reduce_sum3A_39 = vector.multi_reduction <add>, %mul3A, %reduce_sum3A_38 [0] : vector<10000x128xf32> to vector<128xf32>
    %broadcast_in_dim3A_40 = vector.shape_cast %reduce_sum3A_39 : vector<128xf32> to vector<1x128xf32>
    %div3A_41 = arith.constant 1.000000e+04 : f32
    %div3A_42 = vector.broadcast %div3A_41 : f32 to vector<1x128xf32>
    %div3A_43 = arith.divf %broadcast_in_dim3A_40, %div3A_42 : vector<1x128xf32>
    %add3A_44 = arith.constant 9.99999974E-6 : f32
    %add3A_45 = vector.broadcast %add3A_44 : f32 to vector<1x128xf32>
    %add3A_46 = arith.addf %div3A_43, %add3A_45 : vector<1x128xf32>
    %rsqrt3A = math.rsqrt %add3A_46 : vector<1x128xf32>
    %mul3A_47 = vector.broadcast %rsqrt3A : vector<1x128xf32> to vector<10000x128xf32>
    %mul3A_48 = arith.mulf %sub3A_37, %mul3A_47 : vector<10000x128xf32>
    %get3A_49 = arith.constant 0 : index
    %get3A_50 = arith.constant 0 : index
    %get3A_51 = vector.load %arg6[%get3A_49, %get3A_50] : memref<1x128xf32, #tpu.memory_space<vmem>>, vector<1x128xf32>
    %mul3A_52 = vector.broadcast %get3A_51 : vector<1x128xf32> to vector<10000x128xf32>
    %mul3A_53 = arith.mulf %mul3A_48, %mul3A_52 : vector<10000x128xf32>
    %get3A_54 = arith.constant 0 : index
    %get3A_55 = arith.constant 0 : index
    %get3A_56 = vector.load %arg7[%get3A_54, %get3A_55] : memref<1x128xf32, #tpu.memory_space<vmem>>, vector<1x128xf32>
    %add3A_57 = vector.broadcast %get3A_56 : vector<1x128xf32> to vector<10000x128xf32>
    %add3A_58 = arith.addf %mul3A_53, %add3A_57 : vector<10000x128xf32>
    %max3A_59 = arith.constant 0.000000e+00 : f32
    %max3A_60 = vector.broadcast %max3A_59 : f32 to vector<10000x128xf32>
    %max3A_61 = arith.maximumf %add3A_58, %max3A_60 : vector<10000x128xf32>
    %swap3A = arith.constant 0 : index
    %swap3A_62 = arith.constant 0 : index
    %swap3A_63 = vector.load %arg8[%swap3A, %swap3A_62] : memref<10000x128xf32, #tpu.memory_space<vmem>>, vector<10000x128xf32>
    tpu.vector_store %arg8[%swap3A, %swap3A_62], %max3A_61 {strides = array<i32>} : memref<10000x128xf32, #tpu.memory_space<vmem>>, vector<10000x128xf32>,
    return
  }
}

module attributes {stable_mosaic.version = 14 : i64} {
  func.func @_dense_body(%arg0: memref<10000x128xf32, #tpu.memory_space<vmem>>, %arg1: memref<2x10000x128xf32, #tpu.memory_space<vmem>>, %arg2: memref<128x128xf32, #tpu.memory_space<vmem>>, %arg3: memref<1x128xf32, #tpu.memory_space<vmem>>, %arg4: memref<128x128xf32, #tpu.memory_space<vmem>>, %arg5: memref<1x128xf32, #tpu.memory_space<vmem>>, %arg6: memref<1x128xf32, #tpu.memory_space<vmem>>, %arg7: memref<1x128xf32, #tpu.memory_space<vmem>>, %arg8: memref<10000x128xf32, #tpu.memory_space<vmem>>) attributes {dimension_semantics = [], scalar_prefetch = 0 : i64, scratch_operands = 0 : i64, tpu.core_type = #tpu.core_type<tc>} {
    %get3A = arith.constant 0 : index
    %get3A_0 = arith.constant 0 : index
    %get3A_1 = vector.load %arg0[%get3A, %get3A_0] : memref<10000x128xf32, #tpu.memory_space<vmem>>, vector<10000x128xf32>
    %get3A_2 = arith.constant 0 : index
    %get3A_3 = arith.constant 0 : index
    %get3A_4 = arith.constant 0 : index
    %get3A_5 = vector.load %arg1[%get3A_2, %get3A_3, %get3A_4] : memref<2x10000x128xf32, #tpu.memory_space<vmem>>, vector<1x10000x128xf32>
    %get3A_6 = vector.shape_cast %get3A_5 : vector<1x10000x128xf32> to vector<10000x128xf32>
    %add3A = arith.addf %get3A_1, %get3A_6 : vector<10000x128xf32>
    %get3A_7 = arith.constant 1 : index
    %get3A_8 = arith.constant 0 : index
    %get3A_9 = arith.constant 0 : index
    %get3A_10 = vector.load %arg1[%get3A_7, %get3A_8, %get3A_9] : memref<2x10000x128xf32, #tpu.memory_space<vmem>>, vector<1x10000x128xf32>
    %get3A_11 = vector.shape_cast %get3A_10 : vector<1x10000x128xf32> to vector<10000x128xf32>
    %add3A_12 = arith.addf %add3A, %get3A_11 : vector<10000x128xf32>
    %get3A_13 = arith.constant 0 : index
    %get3A_14 = arith.constant 0 : index
    %get3A_15 = vector.load %arg2[%get3A_13, %get3A_14] : memref<128x128xf32, #tpu.memory_space<vmem>>, vector<128x128xf32>
    %dot_general3A = arith.constant dense<0.000000e+00> : vector<10000x128xf32>
    %dot_general3A_16 = tpu.matmul %add3A_12, %get3A_15, %dot_general3A {dimension_numbers = #tpu.dot_dimension_numbers<[1], [1], [0], [0], [0, 0, 1, 0], [], []>, transpose_lhs_hint = false} : vector<10000x128xf32>, vector<128x128xf32>, vector<10000x128xf32> -> vector<10000x128xf32>
    %get3A_17 = arith.constant 0 : index
    %get3A_18 = arith.constant 0 : index
    %get3A_19 = vector.load %arg3[%get3A_17, %get3A_18] : memref<1x128xf32, #tpu.memory_space<vmem>>, vector<1x128xf32>
    %add3A_20 = vector.broadcast %get3A_19 : vector<1x128xf32> to vector<10000x128xf32>
    %add3A_21 = arith.addf %dot_general3A_16, %add3A_20 : vector<10000x128xf32>
    %max3A = arith.constant 0.000000e+00 : f32
    %max3A_22 = vector.broadcast %max3A : f32 to vector<10000x128xf32>
    %max3A_23 = arith.maximumf %add3A_21, %max3A_22 : vector<10000x128xf32>
    %get3A_24 = arith.constant 0 : index
    %get3A_25 = arith.constant 0 : index
    %get3A_26 = vector.load %arg4[%get3A_24, %get3A_25] : memref<128x128xf32, #tpu.memory_space<vmem>>, vector<128x128xf32>
    %dot_general3A_27 = arith.constant dense<0.000000e+00> : vector<10000x128xf32>
    %dot_general3A_28 = tpu.matmul %max3A_23, %get3A_26, %dot_general3A_27 {dimension_numbers = #tpu.dot_dimension_numbers<[1], [1], [0], [0], [0, 0, 1, 0], [], []>, transpose_lhs_hint = false} : vector<10000x128xf32>, vector<128x128xf32>, vector<10000x128xf32> -> vector<10000x128xf32>
    %get3A_29 = arith.constant 0 : index
    %get3A_30 = arith.constant 0 : index
    %get3A_31 = vector.load %arg5[%get3A_29, %get3A_30] : memref<1x128xf32, #tpu.memory_space<vmem>>, vector<1x128xf32>
    %add3A_32 = vector.broadcast %get3A_31 : vector<1x128xf32> to vector<10000x128xf32>
    %add3A_33 = arith.addf %dot_general3A_28, %add3A_32 : vector<10000x128xf32>
    %reduce_sum3A = arith.constant dense<0.000000e+00> : vector<128xf32>
    %reduce_sum3A_34 = vector.multi_reduction <add>, %add3A_33, %reduce_sum3A [0] : vector<10000x128xf32> to vector<128xf32>
    %broadcast_in_dim3A = vector.shape_cast %reduce_sum3A_34 : vector<128xf32> to vector<1x128xf32>
    %div3A = arith.constant 1.000000e+04 : f32
    %div3A_35 = vector.broadcast %div3A : f32 to vector<1x128xf32>
    %div3A_36 = arith.divf %broadcast_in_dim3A, %div3A_35 : vector<1x128xf32>
    %sub3A = vector.broadcast %div3A_36 : vector<1x128xf32> to vector<10000x128xf32>
    %sub3A_37 = arith.subf %add3A_33, %sub3A : vector<10000x128xf32>
    %mul3A = arith.mulf %sub3A_37, %sub3A_37 : vector<10000x128xf32>
    %reduce_sum3A_38 = arith.constant dense<0.000000e+00> : vector<128xf32>
    %reduce_sum3A_39 = vector.multi_reduction <add>, %mul3A, %reduce_sum3A_38 [0] : vector<10000x128xf32> to vector<128xf32>
    %broadcast_in_dim3A_40 = vector.shape_cast %reduce_sum3A_39 : vector<128xf32> to vector<1x128xf32>
    %div3A_41 = arith.constant 1.000000e+04 : f32
    %div3A_42 = vector.broadcast %div3A_41 : f32 to vector<1x128xf32>
    %div3A_43 = arith.divf %broadcast_in_dim3A_40, %div3A_42 : vector<1x128xf32>
    %add3A_44 = arith.constant 9.99999974E-6 : f32
    %add3A_45 = vector.broadcast %add3A_44 : f32 to vector<1x128xf32>
    %add3A_46 = arith.addf %div3A_43, %add3A_45 : vector<1x128xf32>
    %rsqrt3A = math.rsqrt %add3A_46 : vector<1x128xf32>
    %mul3A_47 = vector.broadcast %rsqrt3A : vector<1x128xf32> to vector<10000x128xf32>
    %mul3A_48 = arith.mulf %sub3A_37, %mul3A_47 : vector<10000x128xf32>
    %get3A_49 = arith.constant 0 : index
    %get3A_50 = arith.constant 0 : index
    %get3A_51 = vector.load %arg6[%get3A_49, %get3A_50] : memref<1x128xf32, #tpu.memory_space<vmem>>, vector<1x128xf32>
    %mul3A_52 = vector.broadcast %get3A_51 : vector<1x128xf32> to vector<10000x128xf32>
    %mul3A_53 = arith.mulf %mul3A_48, %mul3A_52 : vector<10000x128xf32>
    %get3A_54 = arith.constant 0 : index
    %get3A_55 = arith.constant 0 : index
    %get3A_56 = vector.load %arg7[%get3A_54, %get3A_55] : memref<1x128xf32, #tpu.memory_space<vmem>>, vector<1x128xf32>
    %add3A_57 = vector.broadcast %get3A_56 : vector<1x128xf32> to vector<10000x128xf32>
    %add3A_58 = arith.addf %mul3A_53, %add3A_57 : vector<10000x128xf32>
    %swap3A = arith.constant 0 : index
    %swap3A_59 = arith.constant 0 : index
    %swap3A_60 = vector.load %arg8[%swap3A, %swap3A_59] : memref<10000x128xf32, #tpu.memory_space<vmem>>, vector<10000x128xf32>
    tpu.vector_store %arg8[%swap3A, %swap3A_59], %add3A_58 {strides = array<i32>} : memref<10000x128xf32, #tpu.memory_space<vmem>>, vector<10000x128xf32>,
    return
  }
}

</mosaic_0001>

<sc_bundles>
// kernel: kernel.6.cloned.1.call-start
scs
__scs_entry_jumppad:
0x0: {  	(pc) =	sbr.rel $0x88, $3  }
0x1: {  	(tag) =	ssettag $0x0;
	lr =	simm.s32 $0x1  }
0x2: {  	[smem:$0x3F93] =	sst lr;
	_ =	strace $0xD0000000  }
0x3: {  	_ = 	snop  }
0x4: {  	_ = 	snop  }
0x5: {  	_ = 	snop  }
0x6: {  	_ = 	snop  }
0x7: {  	_ = 	snop  }
__scs_overlays_trampoline_lowered:
0x8: {  	[smem:$0x3FA2] =	sst s0  }
0x9: {  	[smem:$0x3FA3] =	sst s1  }
0xa: {  	[smem:$0x3FA4] =	sst s2  }
0xb: {  	[smem:$0x3FA5] =	sst s3  }
0xc: {  	[smem:$0x3FA6] =	sst s4  }
0xd: {  	[smem:$0x3FA7] =	sst s5  }
0xe: {  	[smem:$0x3FA8] =	sst s6  }
0xf: {  	[smem:$0x3FA9] =	sst s7  }
0x10: {  	[smem:$0x3FAA] =	sst s8  }
0x11: {  	[smem:$0x3FAB] =	sst s9;
	s0 =	simm.s32 @!p0 $0x0  }
0x12: {  	s1 =	sld [smem:$0x3F91];
	s0 =	simm.s32 @p0 $0x1  }
0x13: {  	[smem:$0x3FAC] =	sst s0;
	s0 =	simm.s32 @!p1 $0x0  }
0x14: {  	s2 =	sld [smem:$0x3F90];
	s0 =	simm.s32 @p1 $0x1  }
0x15: {  	[smem:$0x3FAD] =	sst s0;
	s0 =	simm.s32 @!p2 $0x0  }
0x16: {  	s3 =	sld [smem:$0x3FDB];
	s0 =	simm.s32 @p2 $0x1  }
0x17: {  	s4 =	simm.s32 $0x1BF5;
	[smem:$0x3FAF] =	sst s0  }
0x18: {  	s0 =	sld [smem:$0x3F92];
	_ =	swait.ge [sflag:s4], $0x0  }
0x19: {  	s7 =	sld [smem:$0x3F93]  }
0x1a: {  	s8 =	sadd.s32 $0xFFFFE003, lr  }
0x1b: {  	s9 =	sadd.s32 $0xFFFFFEF7, lr;
	s5 =	simm.s32 $0xFFFFFFFF;
	p2 =	slt.u32 s8, $0xFFFFF086  }
0x1c: {  	p1 =	slt.u32 s9, $0xF7A;
	s5 =	simm.s32 @!p2 $0x0  }
0x1d: {  	s5 =	simm.s32 @p1 $0x1;
	p0 =	seq.s32 s7, s2  }
0x1e: {  	s7 =	smul.u32 @!p0 $0xF7A, s2;
	p2 =	seq.s32 @!p0 s5, $0x0  }
0x1f: {  	s9 =	smul.u32 $0xF7A, s1;
	s8 =	simm.s32 @!p0 $0x1BF5;
	p2 =	por !p2, p0  }
0x20: {  	[sflag:s8] =	ssyncset.s32 @!p0 $0xFFFFF086;
	s6 =	sadd.s32 @!p0 s3, s7;
	s7 =	simm.s32 @!p0 $0x108  }
0x21: {  	s3 =	sadd.s32 s3, s9;
	s6 =	sadd.s32 @!p0 $0x88, s6;
	s7 =	simm.s32 @p2 $0x1082  }
0x22: {  	[simem:s7], [sflag:s8] =	dma.local @!p0 [hbm:s6], $0xF7A  }
0x23: {  	s9 =	sor.u32 $0xD0000000, s2;
	s6 =	simm.s32 $0x108;
	_ =	swait.ge @!p0 [sflag:s8], $0x0  }
0x24: {  	s3 =	sadd.s32 $0x88, s3;
	s6 =	simm.s32 @!p1 $0x1082;
	[sflag:s4] =	ssyncset.s32 $0xFFFFF086  }
0x25: {  	[simem:s6], [sflag:s4] =	dma.local [hbm:s3], $0xF7A  }
0x26: {  	[smem:$0x3F93] =	sst s1;
	(tag) =	ssettag s2;
	_ =	strace s9  }
0x27: {  	s1 =	sld [smem:$0x3FA3]  }
0x28: {  	s2 =	sld [smem:$0x3FA4]  }
0x29: {  	s4 =	sld [smem:$0x3FA6]  }
0x2a: {  	p0 =	seq.s32 s5, $0x0;
	s5 =	sld [smem:$0x3FA7]  }
0x2b: {  	s6 =	sld [smem:$0x3FA8]  }
0x2c: {  	s7 =	sld [smem:$0x3FA9]  }
0x2d: {  	s3 =	simm.s32 $0x108;
	s8 =	sld [smem:$0x3FAA]  }
0x2e: {  	s3 =	simm.s32 @!p0 $0x1082;
	s9 =	sld [smem:$0x3FAB]  }
0x2f: {  	lr =	sadd.s32 s0, s3;
	s0 =	sld [smem:$0x3FA2]  }
0x30: {  	s3 =	sld [smem:$0x3FA5]  }
0x31: {  	[smem:$0x3FAE] =	sst s10  }
0x32: {  	s10 =	sld [smem:$0x3FAC];
	_ =	sdelay $0x3  }
0x33: {  	p0 =	seq.s32 s10, $0x1;
	s10 =	sld [smem:$0x3FAE];
	_ =	sdelay $0x3  }
0x34: {  	[smem:$0x3FAE] =	sst s10  }
0x35: {  	s10 =	sld [smem:$0x3FAD];
	_ =	sdelay $0x3  }
0x36: {  	p1 =	seq.s32 s10, $0x1;
	s10 =	sld [smem:$0x3FAE];
	_ =	sdelay $0x3  }
0x37: {  	[smem:$0x3FAE] =	sst s10  }
0x38: {  	s10 =	sld [smem:$0x3FAF]  }
0x39: {  	_ = 	snop;
	(pc) =	sbr.ind lr, $3  }
0x3a: {  	_ = 	snop  }
0x3b: {  	_ = 	snop  }
0x3c: {  	p2 =	seq.s32 s10, $0x1;
	s10 =	sld [smem:$0x3FAE]  }
0x3d: {  	_ =	shalt  }
0x3e: {  	_ =	shalt  }
0x3f: {  	_ =	shalt  }
0x40: {  	_ =	shalt  }
0x41: {  	_ =	shalt  }
0x42: {  	_ =	shalt  }
0x43: {  	_ =	shalt  }
0x44: {  	_ =	shalt  }
0x45: {  	_ =	shalt  }
0x46: {  	_ =	shalt  }
0x47: {  	_ =	shalt  }
0x48: {  	_ =	shalt  }
0x49: {  	_ =	shalt  }
0x4a: {  	_ =	shalt  }
0x4b: {  	_ =	shalt  }
0x4c: {  	_ =	shalt  }
0x4d: {  	_ =	shalt  }
0x4e: {  	_ =	shalt  }
0x4f: {  	_ =	shalt  }
0x50: {  	_ =	shalt  }
0x51: {  	_ =	shalt  }
0x52: {  	_ =	shalt  }
0x53: {  	_ =	shalt  }
0x54: {  	_ =	shalt  }
0x55: {  	_ =	shalt  }
0x56: {  	_ =	shalt  }
0x57: {  	_ =	shalt  }
0x58: {  	_ =	shalt  }
0x59: {  	_ =	shalt  }
0x5a: {  	_ =	shalt  }
0x5b: {  	_ =	shalt  }
0x5c: {  	_ =	shalt  }
0x5d: {  	_ =	shalt  }
0x5e: {  	_ =	shalt  }
0x5f: {  	_ =	shalt  }
0x60: {  	_ =	shalt  }
0x61: {  	_ =	shalt  }
0x62: {  	_ =	shalt  }
0x63: {  	_ =	shalt  }
0x64: {  	_ =	shalt  }
0x65: {  	_ =	shalt  }
0x66: {  	_ =	shalt  }
0x67: {  	_ =	shalt  }
0x68: {  	_ =	shalt  }
0x69: {  	_ =	shalt  }
0x6a: {  	_ =	shalt  }
0x6b: {  	_ =	shalt  }
0x6c: {  	_ =	shalt  }
0x6d: {  	_ =	shalt  }
0x6e: {  	_ =	shalt  }
0x6f: {  	_ =	shalt  }
0x70: {  	_ =	shalt  }
0x71: {  	_ =	shalt  }
0x72: {  	_ =	shalt  }
0x73: {  	_ =	shalt  }
0x74: {  	_ =	shalt  }
0x75: {  	_ =	shalt  }
0x76: {  	_ =	shalt  }
0x77: {  	_ =	shalt  }
0x78: {  	_ =	shalt  }
0x79: {  	_ =	shalt  }
0x7a: {  	_ =	shalt  }
0x7b: {  	_ =	shalt  }
0x7c: {  	_ =	shalt  }
0x7d: {  	_ =	shalt  }
0x7e: {  	_ =	shalt  }
0x7f: {  	_ =	shalt  }
0x80: {  	_ =	shalt  }
0x81: {  	_ =	shalt  }
0x82: {  	_ =	shalt  }
0x83: {  	_ =	shalt  }
0x84: {  	_ =	shalt  }
0x85: {  	_ =	shalt  }
0x86: {  	_ =	shalt  }
0x87: {  	_ =	shalt  }
.Lfunc_end0:
.L_simem_size_0:
called_computation_lowered:
.L_overlay_start_0:
0x88: {  	s2 =	sld [smem:$0x3FD9]  }
0x89: {  	s3 =	sld [smem:$0x3FFE];
	_ =	sdelay $0x1  }
0x8a: {  	s1 =	srdreg.scid  }
0x8b: {  	s0 =	sand.u32 $0x1, s1  }
0x8c: {  	s17 =	sshll.u32 s0, $0xA;
	s2 =	sadd.s32 s3, s2  }
0x8d: {  	s2 =	sadd.s32 s2, s17  }
0x8e: {  	[smem:$0x3FBA] =	sst s2  }
0x8f: {  	_ = 	snop  }
0x90: {  	s2 =	sld [smem:$0x3FC9]  }
0x91: {  	s18 =	sld [smem:$0x3FD0];
	(tm) =	ssettm $0x1  }
0x92: {  	s4 =	sld [smem:$0x3FFB];
	_ =	sdelay $0x3  }
0x93: {  	_ =	strace s4  }
0x94: {  	s4 =	sld [smem:$0x3FFC];
	_ =	sdelay $0x3  }
0x95: {  	_ =	strace s4  }
0x96: {  	s4 =	sld [smem:$0x3FFD];
	_ =	sdelay $0x3  }
0x97: {  	_ =	strace s4  }
0x98: {  	_ =	strace $0x8FFFFFFF  }
0x99: {  	s19 =	sld [smem:$0x3FDB];
	_ =	sdelay $0x1  }
0x9a: {  	s5 =	simm.s32 $_scs_section_size  }
0x9b: {  	s6 =	simm.s32 $_size__tile_overlayer_lowered;
	s7 =	simm.s32 $_tile_overlayer_lowered  }
0x9c: {  	s22 =	simm.s32 $0x1BFF;
	s21 =	sshll.u32 s7, $0x1;
	s4 =	sadd.s32 s5, s19  }
0x9d: {  	s8 =	simm.s32 $0x0;
	s20 =	sshll.u32 s6, $0x1;
	s6 =	sadd.s32 s21, s4  }
0x9e: {  	[timem:s8], [sflag:s22] =	dma.local [hbm:s6], s20  }
0x9f: {  	_ =	swait.ge [sflag:s22], s20  }
0xa0: {  	s5 =	ssub.s32 $0x0, s20;
	[sflag:s22] =	ssyncset.done $0x0  }
0xa1: {  	[sflag:s22] =	ssyncadd.s32 s5;
	_ =	sdelay $0x1  }
0xa2: {  	s23 =	simm.s32 $0x1B8B  }
0xa3: {  	_ =	swait.ge [sflag:s23], $0x1  }
0xa4: {  	[sflag:s23] =	ssyncset.done $0x0  }
0xa5: {  	s25 =	simm.s32 $0x1B8E;
	s24 =	sld [smem:$0x3FFE];
	[sflag:s23] =	ssyncadd.s32 $0xFFFFFFFF  }
0xa6: {  	s26 =	simm.s32 $execute0_lowered;
	[smem:$0x3FD2] =	sst s25  }
0xa7: {  	s6 =	sshll.u32 s26, $0x1;
	_ =	strace $0x80000046;
	[dreg:$0x1] =	wrdreg $0xFFFFFFFF  }
0xa8: {  	s28 =	simm.s32 $_size_execute0_lowered;
	s4 =	sadd.s32 s4, s6;
	[dreg:$0x0] =	wrdreg $0x0  }
0xa9: {  	s6 =	sshll.u32 s28, $0x1;
	[dreg:$0x2] =	wrdreg s4  }
0xaa: {  	[dreg:$0x3] =	wrdreg s6  }
0xab: {  	[dreg:$0x4] =	wrdreg $0xC0  }
0xac: {  	_ =	task [dreg:s8], $0x5FFFF  }
0xad: {  	[dreg:$0x1] =	wrdreg $0xFFFFFFFF  }
0xae: {  	[dreg:$0x0] =	wrdreg $0x60  }
0xaf: {  	[dreg:$0x2] =	wrdreg s2  }
0xb0: {  	[dreg:$0x3] =	wrdreg s24  }
0xb1: {  	[dreg:$0x4] =	wrdreg s18  }
0xb2: {  	[dreg:$0x5] =	wrdreg $0x54000  }
0xb3: {  	[dreg:$0x6] =	wrdreg $0x9  }
0xb4: {  	_ =	task.clear_ibuf [dreg:s8], $0x7FFFF;
	_ =	strace $0x90000046  }
0xb5: {  	s29 =	simm.s32 $0x9;
	_ =	strace $0x80000048  }
0xb6: {  	_ =	swait.ge [sflag:s29], $0x1  }
0xb7: {  	[sflag:s29] =	ssyncadd.s32 $0xFFFFFFFF  }
0xb8: {  	_ =	strace $0x90000048  }
0xb9: {  	_ =	sfence  }
0xba: {  	s30 =	sld [smem:$0x0];
	_ =	sdelay $0x2  }
0xbb: {  	s31 =	sshll.u32 s1, $0xD;
	s1 =	sshrl.u32 s1, $0x2  }
0xbc: {  	s3 =	sand.u32 $0x4000, s31;
	s1 =	sadd.s32 s1, s30  }
0xbd: {  	s0 =	sor.u32 s3, s0;
	s1 =	sshll.u32 s1, $0x11  }
0xbe: {  	s0 =	sor.u32 s1, s0  }
0xbf: {  	s0 =	sadd.s32 $0x8F2B, s0  }
0xc0: {  	[sflag:s0] =	ssyncadd.remote.s32 $0x1  }
0xc1: {  	_ =	sfence.sel $0xFFFF  }
0xc2: {  	[dreg:$0x0] =	wrdreg $0xFFFFFFFF;
	(pc) =	sbr.abs _section_cstart, $3  }
0xc3: {  	[dreg:$0x1] =	wrdreg $0xFFFFFFFF  }
0xc4: {  	_ =	task.clear_ibuf [dreg:s8], $0x2FFFF;
	_ =	strace $0x9FFFFFFF  }
0xc5: {  	(tm) =	ssettm $0x7FFFFFFF  }
tec
execute0_lowered:
.L_overlay_start_1:
0x0: {  	(tag) =	ssettag $0x1  }
0x1: {  	s1 =	rddreg [dreg:$0x0]  }
0x2: {  	s0 =	rddreg [dreg:$0x1]  }
0x3: {  	s2 =	rddreg [dreg:$0x2]  }
0x4: {  	s3 =	rddreg [dreg:$0x3]  }
0x5: {  	s4 =	simm.s32 $0x0;
	s12 =	stileid.u32;
	s6 =	srdreg.scid  }
0x6: {  	s28 =	simm.s32 $0x2C00;
	s29 =	simm.s32 $0x1;
	s30 =	simm.s32 $0x2  }
0x7: {  	s31 =	simm.s32 $0x3;
	[smem:$0x7FF] =	sst s4;
	s7 =	smul.u32 $0x4E000, s12  }
0x8: {  	s5 =	sadd.s32 $0x12800, s0;
	s9 =	sand.u32 $0x1, s6;
	s15 =	smul.u32 $0x13800, s12  }
0x9: {  	s6 =	sadd.s32 $0x2800, s0;
	s0 =	sadd.s32 $0x22800, s0;
	s19 =	sshll.u32 s12, $0x6  }
0xa: {  	s20 =	sshll.u32 s12, $0xF;
	s13 =	sadd.s32 $0x138000, s3;
	p0 =	sne.s32 s12, $0xF  }
0xb: {  	_ =	strace $0x80000047;
	s8 =	ssub.s32 $0x2, s9;
	s21 =	sshll.u32 s9, $0xE  }
0xc: {  	[dreg:$0x6] =	wrdreg s13;
	s9 =	smul.u32 $0x138800, s9;
	s10 =	sshrl.u32 s8, $0x1  }
0xd: {  	s7 =	sshrl.u32 s7, $0x2;
	s11 =	sshrl.u32 s15, $0x3;
	s18 =	ssub.s32 s8, s10  }
0xe: {  	s7 =	sadd.s32 s7, s3;
	s17 =	sadd.s32 s2, s11;
	s8 =	sor.u32 $0x1C06, s19  }
0xf: {  	s10 =	sor.u32 s21, s20;
	s2 =	sadd.s32 $0x27000, s2;
	s16 =	sadd.s32 s15, s9  }
0x10: {  	s9 =	sshrl.u32 s9, $0x3;
	s20 =	simm.s32 $0x6;
	[dreg:$0x5] =	wrdreg s17  }
0x11: {  	s21 =	simm.s32 $0x200;
	[dreg:$0x7] =	wrdreg s2;
	s22 =	sshrl.u32 s10, $0x3  }
0x12: {  	s26 =	sshrl.u32 s16, $0x3;
	s9 =	sadd.s32 s0, s9;
	s18 =	smax.u32 s18, $0x1  }
0x13: {  	s19 =	sshrl.u32 s7, $0x3;
	s23 =	sadd.s32 s5, s22;
	s24 =	sadd.s32 s6, s22  }
.Ltmp0:
0x14: {  	s2 =	sor.u32 $0x10, s22;
	s16 =	sadd.s32 s0, s26;
	(pc) =	sbr.rel .LBB2_1-.Ltmp0, $4  }
0x15: {  	s17 =	sadd.s32 $0x27000, s9;
	s26 =	simm.s32 $0x400;
	[dreg:$0x8] =	wrdreg s23  }
0x16: {  	s0 =	simm.s32 $0x4;
	[dreg:$0x9] =	wrdreg s24;
	s25 =	sadd.s32 s5, s2  }
0x17: {  	s2 =	sadd.s32 s6, s2;
	s24 =	simm.s32 $0x5;
	[dreg:$0xa] =	wrdreg s25  }
0x18: {  	[dreg:$0xb] =	wrdreg s2;
	s25 =	simm.s32 $0x50;
	s2 =	simm.s32 $0x0  }
.LBB2_4:
0x19: {  	[tilespmem:s26], [sflag:$0x1] =	stream.indirect.gather [hbm4b:s1+s25], $0x80, s7, s25, $0xb8;
	[tilespmem:$0x18C80] =	vst v63  }
0x1a: {  	_ =	swait.ge [sflag:s29], $0x2800  }
0x1b: {  	[sflag:s29] =	ssyncset.done $0x0  }
0x1c: {  	[sflag:s29] =	ssyncadd.s32 $0xFFFFD800  }
0x1d: {  	[spmem:s3] =	stream.indirect.scatter.add.f32 [tilespmem:s26], [sflag:$0x3], $0x80, s21, s25, $0xb8;
	[tilespmem:$0x18C80] =	vst v63  }
0x1e: {  	_ =	swait.ge [sflag:s0], $0x2800  }
0x1f: {  	[sflag:s0] =	ssyncset.done $0x0  }
0x20: {  	[sflag:s0] =	ssyncadd.s32 $0xFFFFD800  }
0x21: {  	_ =	swait.ge [sflag:s31], $0x2800  }
0x22: {  	[sflag:s31] =	ssyncset.done $0x0  }
0x23: {  	[sflag:s31] =	ssyncadd.s32 $0xFFFFD800  }
0x24: {  	[bflag:$0x0] =	sbarrier.arrive $0xFFFF  }
0x25: {  	[hbm:s16], [sflag:s8] =	dma.local [spmem:s19], $0x2700  }
0x26: {  	s2 =	sadd.s32 $0x1, s2;
	_ =	swait.ge [sflag:s20], $0x2700  }
0x27: {  	p1 =	sne.s32 s2, s18;
	[sflag:s20] =	ssyncset.done $0x0  }
.Ltmp1:
0x28: {  	s7 =	simm.s32 @!p0 $0x6;
	[sflag:s20] =	ssyncadd.s32 $0xFFFFD900;
	(pc) =	sbr.rel @!p1 .LBB2_5-.Ltmp1, $4  }
0x29: {  	[hbm:s17], [sflag:s8] =	dma.local @!p0 [spmem:s22], $0x100  }
0x2a: {  	_ =	swait.ge @!p0 [sflag:s7], $0x100  }
0x2b: {  	[sflag:s7] =	ssyncset.done @!p0 $0x0  }
0x2c: {  	[sflag:s7] =	ssyncadd.s32 @!p0 $0xFFFFFF00  }
.LBB2_1:
0x2d: {  	s7 =	rddreg [dreg:$0x5]  }
0x2e: {  	[spmem:s19], [sflag:s8] =	dma.local [hbm:s7], $0x2700  }
0x2f: {  	_ =	swait.ge [sflag:s20], $0x2700  }
0x30: {  	[sflag:s20] =	ssyncset.done $0x0;
	s7 =	rddreg [dreg:$0x6]  }
0x31: {  	[sflag:s20] =	ssyncadd.s32 $0xFFFFD900;
	s22 =	sshrl.u32 @!p0 s7, $0x3;
	s7 =	rddreg [dreg:$0x7]  }
0x32: {  	[spmem:s22], [sflag:s8] =	dma.local @!p0 [hbm:s7], $0x100  }
0x33: {  	s7 =	simm.s32 @!p0 $0x6  }
0x34: {  	_ =	swait.ge @!p0 [sflag:s7], $0x100  }
0x35: {  	[sflag:s7] =	ssyncset.done @!p0 $0x0  }
0x36: {  	[sflag:s7] =	ssyncadd.s32 @!p0 $0xFFFFFF00  }
0x37: {  	[bflag:$0x0] =	sbarrier.arrive $0xFFFF  }
0x38: {  	s12 =	rddreg [dreg:$0x8]  }
0x39: {  	[tilespmem:s4], [sflag:$0x5] =	stream.linear.gather [hbm4b:s12+s4], $0x80, $0x38;
	[tilespmem:$0x18C80] =	vst v63  }
0x3a: {  	s13 =	rddreg [dreg:$0x9]  }
0x3b: {  	[tilespmem:s21], [sflag:$0x5] =	stream.linear.gather [hbm4b:s13+s4], $0x80, $0x38;
	[tilespmem:$0x18C80] =	vst v63  }
0x3c: {  	s9 =	simm.s32 $0x80;
	s14 =	rddreg [dreg:$0xa]  }
0x3d: {  	[tilespmem:s9], [sflag:$0x5] =	stream.linear.gather [hbm4b:s14+s4], $0x80, $0x38;
	[tilespmem:$0x18C80] =	vst v63  }
0x3e: {  	s23 =	simm.s32 $0x280;
	s15 =	rddreg [dreg:$0xb]  }
0x3f: {  	[tilespmem:s23], [sflag:$0x5] =	stream.linear.gather [hbm4b:s15+s4], $0x80, $0x38;
	[tilespmem:$0x18C80] =	vst v63  }
0x40: {  	_ =	swait.ge [sflag:s24], $0x80  }
0x41: {  	[sflag:s24] =	ssyncset.done $0x0  }
0x42: {  	[sflag:s24] =	ssyncadd.s32 $0xFFFFFF80  }
0x43: {  	_ =	swait.ge [sflag:s24], $0x80  }
0x44: {  	[sflag:s24] =	ssyncset.done $0x0  }
0x45: {  	[sflag:s24] =	ssyncadd.s32 $0xFFFFFF80  }
0x46: {  	_ =	swait.ge [sflag:s24], $0x80  }
0x47: {  	[sflag:s24] =	ssyncset.done $0x0  }
0x48: {  	[sflag:s24] =	ssyncadd.s32 $0xFFFFFF80  }
0x49: {  	_ =	swait.ge [sflag:s24], $0x80  }
0x4a: {  	[sflag:s24] =	ssyncset.done $0x0  }
0x4b: {  	s11 =	simm.s32 $0x0;
	[sflag:s24] =	ssyncadd.s32 $0xFFFFFF80  }
0x4c: {  	[tilespmem:s26], [sflag:$0x1] =	stream.indirect.gather [hbm4b:s1+s25], $0x80, s4, s25, $0xb8;
	[tilespmem:$0x18C80] =	vst v63  }
.LBB2_2:
0x4d: {  	s23 =	smov.u32 s11;
	s11 =	sadd.s32 $0x100, s11  }
0x4e: {  	s7 =	sand.u32 $0x7C00, s11  }
0x4f: {  	s9 =	sand.u32 $0x300, s11;
	s7 =	sadd.s32 s10, s7  }
0x50: {  	s7 =	sor.u32 s9, s7  }
0x51: {  	s9 =	sand.u32 $0x100, s23;
	s12 =	sshrl.u32 s7, $0x3  }
0x52: {  	s7 =	sxor.u32 $0x100, s9;
	s13 =	sadd.s32 s5, s12  }
0x53: {  	[tilespmem:s7], [sflag:$0x5] =	stream.linear.gather [hbm4b:s13+s4], $0x80, $0x38;
	[tilespmem:$0x18C80] =	vst v63  }
0x54: {  	p1 =	seq.s32 s23, $0x3D00;
	s14 =	sxor.u32 $0x300, s9;
	s12 =	sadd.s32 s6, s12  }
0x55: {  	[tilespmem:s14], [sflag:$0x5] =	stream.linear.gather [hbm4b:s12+s4], $0x80, $0x38;
	[tilespmem:$0x18C80] =	vst v63  }
0x56: {  	s12 =	sadd.s32 @!p1 $0x180, s23  }
0x57: {  	s13 =	sand.u32 @!p1 $0x7C00, s12  }
0x58: {  	s12 =	sand.u32 @!p1 $0x380, s12;
	s13 =	sadd.s32 @!p1 s10, s13  }
0x59: {  	s12 =	sor.u32 @!p1 s12, s13  }
0x5a: {  	s15 =	simm.s32 @!p1 $0x0;
	s12 =	sshrl.u32 @!p1 s12, $0x3  }
0x5b: {  	p2 =	seq.s32 @!p1 s23, $0x0;
	s13 =	ssub.s32 @!p1 $0x180, s9;
	s14 =	sadd.s32 @!p1 s5, s12  }
0x5c: {  	[tilespmem:s13], [sflag:$0x5] =	stream.linear.gather @!p1 [hbm4b:s14+s15], $0x80, $0x38;
	[tilespmem:$0x18C80] =	vst v63  }
0x5d: {  	p2 =	por p1, !p2;
	s12 =	sadd.s32 @!p1 s6, s12;
	s13 =	ssub.s32 @!p1 $0x380, s9  }
0x5e: {  	[tilespmem:s13], [sflag:$0x5] =	stream.linear.gather @!p1 [hbm4b:s12+s15], $0x80, $0x38;
	[tilespmem:$0x18C80] =	vst v63  }
0x5f: {  	_ =	swait.ge @p2 [sflag:s0], $0x2800  }
0x60: {  	[sflag:s0] =	ssyncset.done @p2 $0x0  }
0x61: {  	s15 =	sor.u32 $0x80, s9;
	[sflag:s0] =	ssyncadd.s32 @p2 $0xFFFFD800  }
0x62: {  	[tilespmem:s28], [sflag:$0x2] =	stream.indirect.gather [hbm4b:s1+s25], $0x80, s15, s25, $0xb8;
	[tilespmem:$0x18C80] =	vst v63  }
0x63: {  	_ =	swait.ge [sflag:s29], $0x2800  }
0x64: {  	[sflag:s29] =	ssyncset.done $0x0  }
0x65: {  	s23 =	sor.u32 $0x200, s9;
	[sflag:s29] =	ssyncadd.s32 $0xFFFFD800  }
0x66: {  	[spmem:s3] =	stream.indirect.scatter.add.f32 [tilespmem:s26], [sflag:$0x3], $0x80, s23, s25, $0xb8;
	[tilespmem:$0x18C80] =	vst v63  }
0x67: {  	_ =	swait.ge [sflag:s30], $0x2800  }
0x68: {  	[sflag:s30] =	ssyncset.done $0x0  }
0x69: {  	s9 =	sor.u32 $0x280, s9;
	[sflag:s30] =	ssyncadd.s32 $0xFFFFD800  }
0x6a: {  	[spmem:s3] =	stream.indirect.scatter.add.f32 [tilespmem:s28], [sflag:$0x4], $0x80, s9, s25, $0xb8;
	[tilespmem:$0x18C80] =	vst v63  }
0x6b: {  	_ =	swait.ge [sflag:s31], $0x2800  }
0x6c: {  	[sflag:s31] =	ssyncset.done $0x0  }
0x6d: {  	[sflag:s31] =	ssyncadd.s32 $0xFFFFD800  }
0x6e: {  	_ =	swait.ge [sflag:s24], $0x80  }
.Ltmp2:
0x6f: {  	[sflag:s24] =	ssyncset.done $0x0;
	(pc) =	sbr.rel @p1 .LBB2_4-.Ltmp2, $4  }
0x70: {  	[sflag:s24] =	ssyncadd.s32 $0xFFFFFF80  }
0x71: {  	_ =	swait.ge [sflag:s24], $0x80  }
0x72: {  	[sflag:s24] =	ssyncset.done $0x0  }
0x73: {  	[sflag:s24] =	ssyncadd.s32 $0xFFFFFF80  }
0x74: {  	_ =	swait.ge [sflag:s24], $0x80  }
0x75: {  	[sflag:s24] =	ssyncset.done $0x0  }
.Ltmp3:
0x76: {  	[sflag:s24] =	ssyncadd.s32 $0xFFFFFF80;
	(pc) =	sbr.rel .LBB2_2-.Ltmp3, $4  }
0x77: {  	_ =	swait.ge [sflag:s24], $0x80  }
0x78: {  	[sflag:s24] =	ssyncset.done $0x0  }
0x79: {  	[sflag:s24] =	ssyncadd.s32 $0xFFFFFF80  }
0x7a: {  	[tilespmem:s26], [sflag:$0x1] =	stream.indirect.gather [hbm4b:s1+s25], $0x80, s7, s25, $0xb8;
	[tilespmem:$0x18C80] =	vst v63  }
.LBB2_5:
0x7b: {  	_ =	sfence.sel $0x180000  }
0x7c: {  	[bflag:$0x0] =	sbarrier.arrive $0xFFFF  }
0x7d: {  	_ =	strace $0x90000047  }
0x7e: {  	s0 =	stileid.u32;
	[bflag:$0x2] =	sbarrier.arrive $0xFFFF  }
0x7f: {  	p0 =	sne.s32 s0, $0x0;
	s0 =	rddreg [dreg:$0x4]  }
0x80: {  	s0 =	sadd.s32 @!p0 $0x100000, s0  }
0x81: {  	[sflag:s0] =	ssyncadd.tile.s32 @!p0 $0x1;
	_ =	shalt  }
.Lfunc_end2:
_tile_overlayer_lowered:
.L_overlay_start_2:
0x82: {  	(tag) =	ssettag $0x2  }
0x83: {  	s0 =	rddreg [dreg:$0x0];
	s2 =	stileid.u32  }
0x84: {  	s1 =	rddreg [dreg:$0x1];
	p0 =	sne.s32 s2, $0x0  }
0x85: {  	s3 =	rddreg [dreg:$0x2];
	[bflag:$0x3] =	sbarrier.arrive $0xFFFF;
	s2 =	simm.s32 @!p0 $0x1C06  }
0x86: {  	[timem:s3], [sflag:s2] =	dma.local @!p0 [hbm:s0], s1  }
0x87: {  	s0 =	simm.s32 @!p0 $0x6  }
0x88: {  	_ =	swait.ge @!p0 [sflag:s0], s1  }
0x89: {  	s1 =	ssub.s32 @!p0 $0x0, s1;
	[sflag:s0] =	ssyncset.done @!p0 $0x0  }
0x8a: {  	[sflag:s0] =	ssyncadd.s32 @!p0 s1  }
0x8b: {  	[bflag:$0x3] =	sbarrier.arrive $0xFFFF  }
0x8c: {  	_ =	shalt  }

// kernel: kernel.9.cloned.1.call-start
scs
__scs_entry_jumppad:
0x0: {  	(pc) =	sbr.rel $0x88, $3  }
0x1: {  	(tag) =	ssettag $0x0;
	lr =	simm.s32 $0x1  }
0x2: {  	[smem:$0x3F93] =	sst lr;
	_ =	strace $0xD0000000  }
0x3: {  	_ = 	snop  }
0x4: {  	_ = 	snop  }
0x5: {  	_ = 	snop  }
0x6: {  	_ = 	snop  }
0x7: {  	_ = 	snop  }
__scs_overlays_trampoline_lowered:
0x8: {  	[smem:$0x3FA2] =	sst s0  }
0x9: {  	[smem:$0x3FA3] =	sst s1  }
0xa: {  	[smem:$0x3FA4] =	sst s2  }
0xb: {  	[smem:$0x3FA5] =	sst s3  }
0xc: {  	[smem:$0x3FA6] =	sst s4  }
0xd: {  	[smem:$0x3FA7] =	sst s5  }
0xe: {  	[smem:$0x3FA8] =	sst s6  }
0xf: {  	[smem:$0x3FA9] =	sst s7  }
0x10: {  	[smem:$0x3FAA] =	sst s8  }
0x11: {  	[smem:$0x3FAB] =	sst s9;
	s0 =	simm.s32 @!p0 $0x0  }
0x12: {  	s1 =	sld [smem:$0x3F91];
	s0 =	simm.s32 @p0 $0x1  }
0x13: {  	[smem:$0x3FAC] =	sst s0;
	s0 =	simm.s32 @!p1 $0x0  }
0x14: {  	s2 =	sld [smem:$0x3F90];
	s0 =	simm.s32 @p1 $0x1  }
0x15: {  	[smem:$0x3FAD] =	sst s0;
	s0 =	simm.s32 @!p2 $0x0  }
0x16: {  	s3 =	sld [smem:$0x3FDB];
	s0 =	simm.s32 @p2 $0x1  }
0x17: {  	s4 =	simm.s32 $0x1BF5;
	[smem:$0x3FAF] =	sst s0  }
0x18: {  	s0 =	sld [smem:$0x3F92];
	_ =	swait.ge [sflag:s4], $0x0  }
0x19: {  	s7 =	sld [smem:$0x3F93]  }
0x1a: {  	s8 =	sadd.s32 $0xFFFFE003, lr  }
0x1b: {  	s9 =	sadd.s32 $0xFFFFFEF7, lr;
	s5 =	simm.s32 $0xFFFFFFFF;
	p2 =	slt.u32 s8, $0xFFFFF086  }
0x1c: {  	p1 =	slt.u32 s9, $0xF7A;
	s5 =	simm.s32 @!p2 $0x0  }
0x1d: {  	s5 =	simm.s32 @p1 $0x1;
	p0 =	seq.s32 s7, s2  }
0x1e: {  	s7 =	smul.u32 @!p0 $0xF7A, s2;
	p2 =	seq.s32 @!p0 s5, $0x0  }
0x1f: {  	s9 =	smul.u32 $0xF7A, s1;
	s8 =	simm.s32 @!p0 $0x1BF5;
	p2 =	por !p2, p0  }
0x20: {  	[sflag:s8] =	ssyncset.s32 @!p0 $0xFFFFF086;
	s6 =	sadd.s32 @!p0 s3, s7;
	s7 =	simm.s32 @!p0 $0x108  }
0x21: {  	s3 =	sadd.s32 s3, s9;
	s6 =	sadd.s32 @!p0 $0x88, s6;
	s7 =	simm.s32 @p2 $0x1082  }
0x22: {  	[simem:s7], [sflag:s8] =	dma.local @!p0 [hbm:s6], $0xF7A  }
0x23: {  	s9 =	sor.u32 $0xD0000000, s2;
	s6 =	simm.s32 $0x108;
	_ =	swait.ge @!p0 [sflag:s8], $0x0  }
0x24: {  	s3 =	sadd.s32 $0x88, s3;
	s6 =	simm.s32 @!p1 $0x1082;
	[sflag:s4] =	ssyncset.s32 $0xFFFFF086  }
0x25: {  	[simem:s6], [sflag:s4] =	dma.local [hbm:s3], $0xF7A  }
0x26: {  	[smem:$0x3F93] =	sst s1;
	(tag) =	ssettag s2;
	_ =	strace s9  }
0x27: {  	s1 =	sld [smem:$0x3FA3]  }
0x28: {  	s2 =	sld [smem:$0x3FA4]  }
0x29: {  	s4 =	sld [smem:$0x3FA6]  }
0x2a: {  	p0 =	seq.s32 s5, $0x0;
	s5 =	sld [smem:$0x3FA7]  }
0x2b: {  	s6 =	sld [smem:$0x3FA8]  }
0x2c: {  	s7 =	sld [smem:$0x3FA9]  }
0x2d: {  	s3 =	simm.s32 $0x108;
	s8 =	sld [smem:$0x3FAA]  }
0x2e: {  	s3 =	simm.s32 @!p0 $0x1082;
	s9 =	sld [smem:$0x3FAB]  }
0x2f: {  	lr =	sadd.s32 s0, s3;
	s0 =	sld [smem:$0x3FA2]  }
0x30: {  	s3 =	sld [smem:$0x3FA5]  }
0x31: {  	[smem:$0x3FAE] =	sst s10  }
0x32: {  	s10 =	sld [smem:$0x3FAC];
	_ =	sdelay $0x3  }
0x33: {  	p0 =	seq.s32 s10, $0x1;
	s10 =	sld [smem:$0x3FAE];
	_ =	sdelay $0x3  }
0x34: {  	[smem:$0x3FAE] =	sst s10  }
0x35: {  	s10 =	sld [smem:$0x3FAD];
	_ =	sdelay $0x3  }
0x36: {  	p1 =	seq.s32 s10, $0x1;
	s10 =	sld [smem:$0x3FAE];
	_ =	sdelay $0x3  }
0x37: {  	[smem:$0x3FAE] =	sst s10  }
0x38: {  	s10 =	sld [smem:$0x3FAF]  }
0x39: {  	_ = 	snop;
	(pc) =	sbr.ind lr, $3  }
0x3a: {  	_ = 	snop  }
0x3b: {  	_ = 	snop  }
0x3c: {  	p2 =	seq.s32 s10, $0x1;
	s10 =	sld [smem:$0x3FAE]  }
0x3d: {  	_ =	shalt  }
0x3e: {  	_ =	shalt  }
0x3f: {  	_ =	shalt  }
0x40: {  	_ =	shalt  }
0x41: {  	_ =	shalt  }
0x42: {  	_ =	shalt  }
0x43: {  	_ =	shalt  }
0x44: {  	_ =	shalt  }
0x45: {  	_ =	shalt  }
0x46: {  	_ =	shalt  }
0x47: {  	_ =	shalt  }
0x48: {  	_ =	shalt  }
0x49: {  	_ =	shalt  }
0x4a: {  	_ =	shalt  }
0x4b: {  	_ =	shalt  }
0x4c: {  	_ =	shalt  }
0x4d: {  	_ =	shalt  }
0x4e: {  	_ =	shalt  }
0x4f: {  	_ =	shalt  }
0x50: {  	_ =	shalt  }
0x51: {  	_ =	shalt  }
0x52: {  	_ =	shalt  }
0x53: {  	_ =	shalt  }
0x54: {  	_ =	shalt  }
0x55: {  	_ =	shalt  }
0x56: {  	_ =	shalt  }
0x57: {  	_ =	shalt  }
0x58: {  	_ =	shalt  }
0x59: {  	_ =	shalt  }
0x5a: {  	_ =	shalt  }
0x5b: {  	_ =	shalt  }
0x5c: {  	_ =	shalt  }
0x5d: {  	_ =	shalt  }
0x5e: {  	_ =	shalt  }
0x5f: {  	_ =	shalt  }
0x60: {  	_ =	shalt  }
0x61: {  	_ =	shalt  }
0x62: {  	_ =	shalt  }
0x63: {  	_ =	shalt  }
0x64: {  	_ =	shalt  }
0x65: {  	_ =	shalt  }
0x66: {  	_ =	shalt  }
0x67: {  	_ =	shalt  }
0x68: {  	_ =	shalt  }
0x69: {  	_ =	shalt  }
0x6a: {  	_ =	shalt  }
0x6b: {  	_ =	shalt  }
0x6c: {  	_ =	shalt  }
0x6d: {  	_ =	shalt  }
0x6e: {  	_ =	shalt  }
0x6f: {  	_ =	shalt  }
0x70: {  	_ =	shalt  }
0x71: {  	_ =	shalt  }
0x72: {  	_ =	shalt  }
0x73: {  	_ =	shalt  }
0x74: {  	_ =	shalt  }
0x75: {  	_ =	shalt  }
0x76: {  	_ =	shalt  }
0x77: {  	_ =	shalt  }
0x78: {  	_ =	shalt  }
0x79: {  	_ =	shalt  }
0x7a: {  	_ =	shalt  }
0x7b: {  	_ =	shalt  }
0x7c: {  	_ =	shalt  }
0x7d: {  	_ =	shalt  }
0x7e: {  	_ =	shalt  }
0x7f: {  	_ =	shalt  }
0x80: {  	_ =	shalt  }
0x81: {  	_ =	shalt  }
0x82: {  	_ =	shalt  }
0x83: {  	_ =	shalt  }
0x84: {  	_ =	shalt  }
0x85: {  	_ =	shalt  }
0x86: {  	_ =	shalt  }
0x87: {  	_ =	shalt  }
.Lfunc_end0:
.L_simem_size_0:
called_computation.1_lowered:
.L_overlay_start_0:
0x88: {  	s2 =	sld [smem:$0x3FD9]  }
0x89: {  	s3 =	sld [smem:$0x3FFE];
	_ =	sdelay $0x1  }
0x8a: {  	s1 =	srdreg.scid  }
0x8b: {  	s0 =	sand.u32 $0x1, s1  }
0x8c: {  	s17 =	sshll.u32 s0, $0xA;
	s2 =	sadd.s32 s3, s2  }
0x8d: {  	s2 =	sadd.s32 s2, s17  }
0x8e: {  	[smem:$0x3FBA] =	sst s2  }
0x8f: {  	_ = 	snop  }
0x90: {  	s2 =	sld [smem:$0x3FD0];
	(tm) =	ssettm $0x1  }
0x91: {  	s18 =	sld [smem:$0x3FFB];
	_ =	sdelay $0x3  }
0x92: {  	_ =	strace s18  }
0x93: {  	s3 =	sld [smem:$0x3FFC];
	_ =	sdelay $0x3  }
0x94: {  	_ =	strace s3  }
0x95: {  	s3 =	sld [smem:$0x3FFD];
	_ =	sdelay $0x3  }
0x96: {  	_ =	strace s3  }
0x97: {  	_ =	strace $0x8FFFFFFF  }
0x98: {  	s19 =	sld [smem:$0x3FDB];
	_ =	sdelay $0x1  }
0x99: {  	s4 =	simm.s32 $_scs_section_size  }
0x9a: {  	s5 =	simm.s32 $_size__tile_overlayer_lowered;
	s6 =	simm.s32 $_tile_overlayer_lowered  }
0x9b: {  	s22 =	simm.s32 $0x1BFF;
	s21 =	sshll.u32 s6, $0x1;
	s3 =	sadd.s32 s4, s19  }
0x9c: {  	s7 =	simm.s32 $0x0;
	s20 =	sshll.u32 s5, $0x1;
	s5 =	sadd.s32 s21, s3  }
0x9d: {  	[timem:s7], [sflag:s22] =	dma.local [hbm:s5], s20  }
0x9e: {  	_ =	swait.ge [sflag:s22], s20  }
0x9f: {  	s4 =	ssub.s32 $0x0, s20;
	[sflag:s22] =	ssyncset.done $0x0  }
0xa0: {  	[sflag:s22] =	ssyncadd.s32 s4;
	_ =	sdelay $0x1  }
0xa1: {  	s23 =	simm.s32 $0x1B8B  }
0xa2: {  	_ =	swait.ge [sflag:s23], $0x1  }
0xa3: {  	[sflag:s23] =	ssyncset.done $0x0  }
0xa4: {  	s25 =	simm.s32 $0x1B8E;
	s24 =	sld [smem:$0x3FFE];
	[sflag:s23] =	ssyncadd.s32 $0xFFFFFFFF  }
0xa5: {  	s26 =	simm.s32 $execute0_lowered;
	[smem:$0x3FD2] =	sst s25  }
0xa6: {  	s5 =	sshll.u32 s26, $0x1;
	_ =	strace $0x80000049;
	[dreg:$0x1] =	wrdreg $0xFFFFFFFF  }
0xa7: {  	s28 =	simm.s32 $_size_execute0_lowered;
	s3 =	sadd.s32 s3, s5;
	[dreg:$0x0] =	wrdreg $0x0  }
0xa8: {  	s5 =	sshll.u32 s28, $0x1;
	[dreg:$0x2] =	wrdreg s3  }
0xa9: {  	[dreg:$0x3] =	wrdreg s5  }
0xaa: {  	[dreg:$0x4] =	wrdreg $0xC0  }
0xab: {  	_ =	task [dreg:s7], $0x5FFFF  }
0xac: {  	[dreg:$0x1] =	wrdreg $0xFFFFFFFF  }
0xad: {  	[dreg:$0x0] =	wrdreg $0x60  }
0xae: {  	[dreg:$0x2] =	wrdreg s24  }
0xaf: {  	[dreg:$0x3] =	wrdreg s2  }
0xb0: {  	[dreg:$0x4] =	wrdreg $0x54000  }
0xb1: {  	[dreg:$0x5] =	wrdreg $0x9  }
0xb2: {  	_ =	task.clear_ibuf [dreg:s7], $0x6FFFF;
	_ =	strace $0x90000049  }
0xb3: {  	s29 =	simm.s32 $0x9;
	_ =	strace $0x8000004B  }
0xb4: {  	_ =	swait.ge [sflag:s29], $0x1  }
0xb5: {  	[sflag:s29] =	ssyncadd.s32 $0xFFFFFFFF  }
0xb6: {  	_ =	strace $0x9000004B  }
0xb7: {  	_ =	sfence  }
0xb8: {  	s30 =	sld [smem:$0x0];
	_ =	sdelay $0x2  }
0xb9: {  	s31 =	sshll.u32 s1, $0xD;
	s1 =	sshrl.u32 s1, $0x2  }
0xba: {  	s3 =	sand.u32 $0x4000, s31;
	s1 =	sadd.s32 s1, s30  }
0xbb: {  	s0 =	sor.u32 s3, s0;
	s1 =	sshll.u32 s1, $0x11  }
0xbc: {  	s0 =	sor.u32 s1, s0  }
0xbd: {  	s0 =	sadd.s32 $0x8F2B, s0  }
0xbe: {  	[sflag:s0] =	ssyncadd.remote.s32 $0x1  }
0xbf: {  	_ =	sfence.sel $0xFFFF  }
0xc0: {  	[dreg:$0x0] =	wrdreg $0xFFFFFFFF;
	(pc) =	sbr.abs _section_cstart, $3  }
0xc1: {  	[dreg:$0x1] =	wrdreg $0xFFFFFFFF  }
0xc2: {  	_ =	task.clear_ibuf [dreg:s7], $0x2FFFF;
	_ =	strace $0x9FFFFFFF  }
0xc3: {  	(tm) =	ssettm $0x7FFFFFFF  }
tec
execute0_lowered:
.L_overlay_start_1:
0x0: {  	(tag) =	ssettag $0x1  }
0x1: {  	s0 =	rddreg [dreg:$0x0]  }
0x2: {  	s2 =	rddreg [dreg:$0x1]  }
0x3: {  	s1 =	rddreg [dreg:$0x2];
	s3 =	simm.s32 $0x0  }
0x4: {  	s12 =	stileid.u32;
	s6 =	srdreg.scid;
	s28 =	simm.s32 $0x2C00  }
0x5: {  	s29 =	simm.s32 $0x1;
	s30 =	simm.s32 $0x2;
	s31 =	simm.s32 $0x3  }
0x6: {  	[smem:$0x7FF] =	sst s3;
	s4 =	sadd.s32 $0x22800, s0;
	s7 =	smul.u32 $0x4E000, s12  }
0x7: {  	s5 =	sadd.s32 $0x12800, s0;
	s9 =	sand.u32 $0x1, s6;
	s15 =	smul.u32 $0x13800, s12  }
0x8: {  	s6 =	sadd.s32 $0x2800, s0;
	s0 =	sadd.s32 $0x49A00, s0;
	s19 =	sshll.u32 s12, $0x6  }
0x9: {  	s20 =	sshll.u32 s12, $0xF;
	s13 =	sadd.s32 $0x138000, s1;
	p0 =	sne.s32 s12, $0xF  }
0xa: {  	_ =	strace $0x8000004A;
	s8 =	ssub.s32 $0x2, s9;
	s21 =	sshll.u32 s9, $0xE  }
0xb: {  	[dreg:$0x5] =	wrdreg s13;
	s9 =	smul.u32 $0x138800, s9;
	s10 =	sshrl.u32 s8, $0x1  }
0xc: {  	s7 =	sshrl.u32 s7, $0x2;
	s11 =	sshrl.u32 s15, $0x3;
	s18 =	ssub.s32 s8, s10  }
0xd: {  	s7 =	sadd.s32 s7, s1;
	s17 =	sadd.s32 s2, s11;
	s8 =	sor.u32 $0x1C06, s19  }
0xe: {  	s10 =	sor.u32 s21, s20;
	s2 =	sadd.s32 $0x27000, s2;
	s16 =	sadd.s32 s15, s9  }
0xf: {  	s9 =	sshrl.u32 s9, $0x3;
	s20 =	simm.s32 $0x6;
	[dreg:$0x4] =	wrdreg s17  }
0x10: {  	s21 =	simm.s32 $0x200;
	[dreg:$0x6] =	wrdreg s2;
	s22 =	sshrl.u32 s10, $0x3  }
0x11: {  	s26 =	sshrl.u32 s16, $0x3;
	s9 =	sadd.s32 s0, s9;
	s18 =	smax.u32 s18, $0x1  }
0x12: {  	s19 =	sshrl.u32 s7, $0x3;
	s23 =	sadd.s32 s5, s22;
	s24 =	sadd.s32 s6, s22  }
.Ltmp0:
0x13: {  	s2 =	sor.u32 $0x10, s22;
	s16 =	sadd.s32 s0, s26;
	(pc) =	sbr.rel .LBB2_1-.Ltmp0, $4  }
0x14: {  	s17 =	sadd.s32 $0x27000, s9;
	s26 =	simm.s32 $0x400;
	[dreg:$0x7] =	wrdreg s23  }
0x15: {  	s0 =	simm.s32 $0x4;
	[dreg:$0x8] =	wrdreg s24;
	s25 =	sadd.s32 s5, s2  }
0x16: {  	s2 =	sadd.s32 s6, s2;
	s24 =	simm.s32 $0x5;
	[dreg:$0x9] =	wrdreg s25  }
0x17: {  	[dreg:$0xa] =	wrdreg s2;
	s25 =	simm.s32 $0x50;
	s2 =	simm.s32 $0x0  }
.LBB2_4:
0x18: {  	[tilespmem:s26], [sflag:$0x1] =	stream.indirect.gather [hbm4b:s4+s25], $0x80, s7, s25, $0xb8;
	[tilespmem:$0x18C80] =	vst v63  }
0x19: {  	_ =	swait.ge [sflag:s29], $0x2800  }
0x1a: {  	[sflag:s29] =	ssyncset.done $0x0  }
0x1b: {  	[sflag:s29] =	ssyncadd.s32 $0xFFFFD800  }
0x1c: {  	[spmem:s1] =	stream.indirect.scatter.add.f32 [tilespmem:s26], [sflag:$0x3], $0x80, s21, s25, $0xb8;
	[tilespmem:$0x18C80] =	vst v63  }
0x1d: {  	_ =	swait.ge [sflag:s0], $0x2800  }
0x1e: {  	[sflag:s0] =	ssyncset.done $0x0  }
0x1f: {  	[sflag:s0] =	ssyncadd.s32 $0xFFFFD800  }
0x20: {  	_ =	swait.ge [sflag:s31], $0x2800  }
0x21: {  	[sflag:s31] =	ssyncset.done $0x0  }
0x22: {  	[sflag:s31] =	ssyncadd.s32 $0xFFFFD800  }
0x23: {  	[bflag:$0x0] =	sbarrier.arrive $0xFFFF  }
0x24: {  	[hbm:s16], [sflag:s8] =	dma.local [spmem:s19], $0x2700  }
0x25: {  	s2 =	sadd.s32 $0x1, s2;
	_ =	swait.ge [sflag:s20], $0x2700  }
0x26: {  	p1 =	sne.s32 s2, s18;
	[sflag:s20] =	ssyncset.done $0x0  }
.Ltmp1:
0x27: {  	s7 =	simm.s32 @!p0 $0x6;
	[sflag:s20] =	ssyncadd.s32 $0xFFFFD900;
	(pc) =	sbr.rel @!p1 .LBB2_5-.Ltmp1, $4  }
0x28: {  	[hbm:s17], [sflag:s8] =	dma.local @!p0 [spmem:s22], $0x100  }
0x29: {  	_ =	swait.ge @!p0 [sflag:s7], $0x100  }
0x2a: {  	[sflag:s7] =	ssyncset.done @!p0 $0x0  }
0x2b: {  	[sflag:s7] =	ssyncadd.s32 @!p0 $0xFFFFFF00  }
.LBB2_1:
0x2c: {  	s7 =	rddreg [dreg:$0x4]  }
0x2d: {  	[spmem:s19], [sflag:s8] =	dma.local [hbm:s7], $0x2700  }
0x2e: {  	_ =	swait.ge [sflag:s20], $0x2700  }
0x2f: {  	[sflag:s20] =	ssyncset.done $0x0;
	s7 =	rddreg [dreg:$0x5]  }
0x30: {  	[sflag:s20] =	ssyncadd.s32 $0xFFFFD900;
	s22 =	sshrl.u32 @!p0 s7, $0x3;
	s7 =	rddreg [dreg:$0x6]  }
0x31: {  	[spmem:s22], [sflag:s8] =	dma.local @!p0 [hbm:s7], $0x100  }
0x32: {  	s7 =	simm.s32 @!p0 $0x6  }
0x33: {  	_ =	swait.ge @!p0 [sflag:s7], $0x100  }
0x34: {  	[sflag:s7] =	ssyncset.done @!p0 $0x0  }
0x35: {  	[sflag:s7] =	ssyncadd.s32 @!p0 $0xFFFFFF00  }
0x36: {  	[bflag:$0x0] =	sbarrier.arrive $0xFFFF  }
0x37: {  	s12 =	rddreg [dreg:$0x7]  }
0x38: {  	[tilespmem:s3], [sflag:$0x5] =	stream.linear.gather [hbm4b:s12+s3], $0x80, $0x38;
	[tilespmem:$0x18C80] =	vst v63  }
0x39: {  	s13 =	rddreg [dreg:$0x8]  }
0x3a: {  	[tilespmem:s21], [sflag:$0x5] =	stream.linear.gather [hbm4b:s13+s3], $0x80, $0x38;
	[tilespmem:$0x18C80] =	vst v63  }
0x3b: {  	s9 =	simm.s32 $0x80;
	s14 =	rddreg [dreg:$0x9]  }
0x3c: {  	[tilespmem:s9], [sflag:$0x5] =	stream.linear.gather [hbm4b:s14+s3], $0x80, $0x38;
	[tilespmem:$0x18C80] =	vst v63  }
0x3d: {  	s23 =	simm.s32 $0x280;
	s15 =	rddreg [dreg:$0xa]  }
0x3e: {  	[tilespmem:s23], [sflag:$0x5] =	stream.linear.gather [hbm4b:s15+s3], $0x80, $0x38;
	[tilespmem:$0x18C80] =	vst v63  }
0x3f: {  	_ =	swait.ge [sflag:s24], $0x80  }
0x40: {  	[sflag:s24] =	ssyncset.done $0x0  }
0x41: {  	[sflag:s24] =	ssyncadd.s32 $0xFFFFFF80  }
0x42: {  	_ =	swait.ge [sflag:s24], $0x80  }
0x43: {  	[sflag:s24] =	ssyncset.done $0x0  }
0x44: {  	[sflag:s24] =	ssyncadd.s32 $0xFFFFFF80  }
0x45: {  	_ =	swait.ge [sflag:s24], $0x80  }
0x46: {  	[sflag:s24] =	ssyncset.done $0x0  }
0x47: {  	[sflag:s24] =	ssyncadd.s32 $0xFFFFFF80  }
0x48: {  	_ =	swait.ge [sflag:s24], $0x80  }
0x49: {  	[sflag:s24] =	ssyncset.done $0x0  }
0x4a: {  	s11 =	simm.s32 $0x0;
	[sflag:s24] =	ssyncadd.s32 $0xFFFFFF80  }
0x4b: {  	[tilespmem:s26], [sflag:$0x1] =	stream.indirect.gather [hbm4b:s4+s25], $0x80, s3, s25, $0xb8;
	[tilespmem:$0x18C80] =	vst v63  }
.LBB2_2:
0x4c: {  	s23 =	smov.u32 s11;
	s11 =	sadd.s32 $0x100, s11  }
0x4d: {  	s7 =	sand.u32 $0x7C00, s11  }
0x4e: {  	s9 =	sand.u32 $0x300, s11;
	s7 =	sadd.s32 s10, s7  }
0x4f: {  	s7 =	sor.u32 s9, s7  }
0x50: {  	s9 =	sand.u32 $0x100, s23;
	s12 =	sshrl.u32 s7, $0x3  }
0x51: {  	s7 =	sxor.u32 $0x100, s9;
	s13 =	sadd.s32 s5, s12  }
0x52: {  	[tilespmem:s7], [sflag:$0x5] =	stream.linear.gather [hbm4b:s13+s3], $0x80, $0x38;
	[tilespmem:$0x18C80] =	vst v63  }
0x53: {  	p1 =	seq.s32 s23, $0x3D00;
	s14 =	sxor.u32 $0x300, s9;
	s12 =	sadd.s32 s6, s12  }
0x54: {  	[tilespmem:s14], [sflag:$0x5] =	stream.linear.gather [hbm4b:s12+s3], $0x80, $0x38;
	[tilespmem:$0x18C80] =	vst v63  }
0x55: {  	s12 =	sadd.s32 @!p1 $0x180, s23  }
0x56: {  	s13 =	sand.u32 @!p1 $0x7C00, s12  }
0x57: {  	s12 =	sand.u32 @!p1 $0x380, s12;
	s13 =	sadd.s32 @!p1 s10, s13  }
0x58: {  	s12 =	sor.u32 @!p1 s12, s13  }
0x59: {  	s15 =	simm.s32 @!p1 $0x0;
	s12 =	sshrl.u32 @!p1 s12, $0x3  }
0x5a: {  	p2 =	seq.s32 @!p1 s23, $0x0;
	s13 =	ssub.s32 @!p1 $0x180, s9;
	s14 =	sadd.s32 @!p1 s5, s12  }
0x5b: {  	[tilespmem:s13], [sflag:$0x5] =	stream.linear.gather @!p1 [hbm4b:s14+s15], $0x80, $0x38;
	[tilespmem:$0x18C80] =	vst v63  }
0x5c: {  	p2 =	por p1, !p2;
	s12 =	sadd.s32 @!p1 s6, s12;
	s13 =	ssub.s32 @!p1 $0x380, s9  }
0x5d: {  	[tilespmem:s13], [sflag:$0x5] =	stream.linear.gather @!p1 [hbm4b:s12+s15], $0x80, $0x38;
	[tilespmem:$0x18C80] =	vst v63  }
0x5e: {  	_ =	swait.ge @p2 [sflag:s0], $0x2800  }
0x5f: {  	[sflag:s0] =	ssyncset.done @p2 $0x0  }
0x60: {  	s15 =	sor.u32 $0x80, s9;
	[sflag:s0] =	ssyncadd.s32 @p2 $0xFFFFD800  }
0x61: {  	[tilespmem:s28], [sflag:$0x2] =	stream.indirect.gather [hbm4b:s4+s25], $0x80, s15, s25, $0xb8;
	[tilespmem:$0x18C80] =	vst v63  }
0x62: {  	_ =	swait.ge [sflag:s29], $0x2800  }
0x63: {  	[sflag:s29] =	ssyncset.done $0x0  }
0x64: {  	s23 =	sor.u32 $0x200, s9;
	[sflag:s29] =	ssyncadd.s32 $0xFFFFD800  }
0x65: {  	[spmem:s1] =	stream.indirect.scatter.add.f32 [tilespmem:s26], [sflag:$0x3], $0x80, s23, s25, $0xb8;
	[tilespmem:$0x18C80] =	vst v63  }
0x66: {  	_ =	swait.ge [sflag:s30], $0x2800  }
0x67: {  	[sflag:s30] =	ssyncset.done $0x0  }
0x68: {  	s9 =	sor.u32 $0x280, s9;
	[sflag:s30] =	ssyncadd.s32 $0xFFFFD800  }
0x69: {  	[spmem:s1] =	stream.indirect.scatter.add.f32 [tilespmem:s28], [sflag:$0x4], $0x80, s9, s25, $0xb8;
	[tilespmem:$0x18C80] =	vst v63  }
0x6a: {  	_ =	swait.ge [sflag:s31], $0x2800  }
0x6b: {  	[sflag:s31] =	ssyncset.done $0x0  }
0x6c: {  	[sflag:s31] =	ssyncadd.s32 $0xFFFFD800  }
0x6d: {  	_ =	swait.ge [sflag:s24], $0x80  }
.Ltmp2:
0x6e: {  	[sflag:s24] =	ssyncset.done $0x0;
	(pc) =	sbr.rel @p1 .LBB2_4-.Ltmp2, $4  }
0x6f: {  	[sflag:s24] =	ssyncadd.s32 $0xFFFFFF80  }
0x70: {  	_ =	swait.ge [sflag:s24], $0x80  }
0x71: {  	[sflag:s24] =	ssyncset.done $0x0  }
0x72: {  	[sflag:s24] =	ssyncadd.s32 $0xFFFFFF80  }
0x73: {  	_ =	swait.ge [sflag:s24], $0x80  }
0x74: {  	[sflag:s24] =	ssyncset.done $0x0  }
.Ltmp3:
0x75: {  	[sflag:s24] =	ssyncadd.s32 $0xFFFFFF80;
	(pc) =	sbr.rel .LBB2_2-.Ltmp3, $4  }
0x76: {  	_ =	swait.ge [sflag:s24], $0x80  }
0x77: {  	[sflag:s24] =	ssyncset.done $0x0  }
0x78: {  	[sflag:s24] =	ssyncadd.s32 $0xFFFFFF80  }
0x79: {  	[tilespmem:s26], [sflag:$0x1] =	stream.indirect.gather [hbm4b:s4+s25], $0x80, s7, s25, $0xb8;
	[tilespmem:$0x18C80] =	vst v63  }
.LBB2_5:
0x7a: {  	_ =	sfence.sel $0x180000  }
0x7b: {  	[bflag:$0x0] =	sbarrier.arrive $0xFFFF  }
0x7c: {  	_ =	strace $0x9000004A  }
0x7d: {  	s0 =	stileid.u32;
	[bflag:$0x2] =	sbarrier.arrive $0xFFFF  }
0x7e: {  	p0 =	sne.s32 s0, $0x0;
	s0 =	rddreg [dreg:$0x3]  }
0x7f: {  	s0 =	sadd.s32 @!p0 $0x100000, s0  }
0x80: {  	[sflag:s0] =	ssyncadd.tile.s32 @!p0 $0x1;
	_ =	shalt  }
.Lfunc_end2:
_tile_overlayer_lowered:
.L_overlay_start_2:
0x81: {  	(tag) =	ssettag $0x2  }
0x82: {  	s0 =	rddreg [dreg:$0x0];
	s2 =	stileid.u32  }
0x83: {  	s1 =	rddreg [dreg:$0x1];
	p0 =	sne.s32 s2, $0x0  }
0x84: {  	s3 =	rddreg [dreg:$0x2];
	[bflag:$0x3] =	sbarrier.arrive $0xFFFF;
	s2 =	simm.s32 @!p0 $0x1C06  }
0x85: {  	[timem:s3], [sflag:s2] =	dma.local @!p0 [hbm:s0], s1  }
0x86: {  	s0 =	simm.s32 @!p0 $0x6  }
0x87: {  	_ =	swait.ge @!p0 [sflag:s0], s1  }
0x88: {  	s1 =	ssub.s32 @!p0 $0x0, s1;
	[sflag:s0] =	ssyncset.done @!p0 $0x0  }
0x89: {  	[sflag:s0] =	ssyncadd.s32 @!p0 s1  }
0x8a: {  	[bflag:$0x3] =	sbarrier.arrive $0xFFFF  }
0x8b: {  	_ =	shalt  }

</sc_bundles>
